<compile_context>
chip_gen: v7x
topology: tpu7x:2x2x1
jax: 0.10.2.dev20260603
libtpu: 0.0.44.dev20260713+nightly
codegen_flags: <defaults>
</compile_context>

<pallas_src>
import functools

import jax
import jax.numpy as jnp
from jax import lax
from jax.experimental import pallas as pl
from jax.experimental.pallas import tpu as pltpu
from jax.experimental.pallas import tpu_sc as plsc

_NC = 2
_NS = 16
_NW = _NC * _NS
_L = 16
_CH = 128


def _make_sc_embed(B, T, V, D):
    a_per_w = B // _NW
    a_chunks = a_per_w // _CH
    b_per_w = (T - B) // _NW
    b_chunks = b_per_w // _CH
    nvec = D // _L

    GCH = 4
    GR = GCH * _CH
    n_groups = b_chunks // GCH
    assert n_groups % 2 == 1
    n_pairs = n_groups // 2
    RI = 4

    mesh = plsc.VectorSubcoreMesh(core_axis_name="c", subcore_axis_name="s")

    @functools.partial(
        pl.kernel,
        mesh=mesh,
        compiler_params=pltpu.CompilerParams(use_tc_tiling_on_sc=False),
        out_type=[
            jax.ShapeDtypeStruct((B, D), jnp.float32),
            jax.ShapeDtypeStruct((_NW, 1, D), jnp.float32),
        ],
        scratch_types=[
            pltpu.VMEM((a_chunks, _CH), jnp.int32),
            pltpu.VMEM((b_chunks, _CH), jnp.int32),
            pltpu.VMEM((GR, D), jnp.float32),
            pltpu.VMEM((GR, D), jnp.float32),
            pltpu.VMEM((1, D), jnp.float32),
            pltpu.SemaphoreType.DMA,
            pltpu.SemaphoreType.DMA,
        ],
    )
    def sc_embed(textA, textB, emb, gathered, partials,
                 idxA, idxB, buf0, buf1, accbuf, sem0, sem1):
        wid = lax.axis_index("s") * _NC + lax.axis_index("c")

        pltpu.sync_copy(textA.at[wid], idxA)
        for j in range(a_chunks):
            pltpu.async_copy(emb.at[idxA.at[j]],
                             buf0.at[pl.ds(j * _CH, _CH)], sem0)
        pltpu.make_async_copy(emb.at[pl.ds(0, a_per_w)],
                              buf0.at[pl.ds(0, a_per_w)], sem0).wait()
        pltpu.sync_copy(buf0.at[pl.ds(0, a_per_w)],
                        gathered.at[pl.ds(wid * a_per_w, a_per_w)])

        pltpu.sync_copy(textB.at[wid], idxB)

        def start_group(g, buf, sem):
            for j in range(GCH):
                pltpu.async_copy(emb.at[idxB.at[g * GCH + j]],
                                 buf.at[pl.ds(j * _CH, _CH)], sem)

        def drain(buf, sem):
            pltpu.make_async_copy(emb.at[pl.ds(0, GR)], buf, sem).wait()

        def accum(buf, accs):
            def row_body(r, a):
                a = list(a)
                for dr in range(RI):
                    for k in range(nvec):
                        a[dr * nvec + k] = (a[dr * nvec + k]
                                            + buf[r * RI + dr, pl.ds(k * _L, _L)])
                return tuple(a)
            return lax.fori_loop(0, GR // RI, row_body, accs)

        start_group(0, buf0, sem0)

        def pair_body(p, accs):
            start_group(2 * p + 1, buf1, sem1)
            drain(buf0, sem0)
            accs = accum(buf0, accs)
            start_group(2 * p + 2, buf0, sem0)
            drain(buf1, sem1)
            return accum(buf1, accs)

        zero = jnp.zeros((_L,), jnp.float32)
        accs = lax.fori_loop(0, n_pairs, pair_body, (zero,) * (RI * nvec))
        drain(buf0, sem0)
        accs = accum(buf0, accs)

        for k in range(nvec):
            tot = accs[k]
            for dr in range(1, RI):
                tot = tot + accs[dr * nvec + k]
            accbuf[0, pl.ds(k * _L, _L)] = tot
        pltpu.sync_copy(accbuf, partials.at[wid])

    return sc_embed


def _make_tc_mlp(B, T, D, H, C, BLK):
    n_last = float(T - B + 1)

    def mlp_body(gathered_ref, partials_ref, Wh_ref, bh_ref, Wfc_ref,
                 bfc_ref, out_ref):
        i = pl.program_id(0)
        x = gathered_ref[...]
        rows = i * BLK + lax.broadcasted_iota(jnp.int32, (BLK, 1), 0)
        fix = jnp.sum(partials_ref[...], axis=0, keepdims=True)
        x = jnp.where(rows == (B - 1), (x + fix) / n_last, x)
        h = lax.dot_general(x, Wh_ref[...], (((1,), (1,)), ((), ())),
                            preferred_element_type=jnp.float32)
        h = h + bh_ref[...]
        o = lax.dot_general(h, Wfc_ref[...], (((1,), (1,)), ((), ())),
                            preferred_element_type=jnp.float32)
        out_ref[...] = o + bfc_ref[...]

    return pl.pallas_call(
        mlp_body,
        grid=(B // BLK,),
        in_specs=[
            pl.BlockSpec((BLK, D), lambda i: (i, 0)),
            pl.BlockSpec((_NW, D), lambda i: (0, 0)),
            pl.BlockSpec((H, D), lambda i: (0, 0)),
            pl.BlockSpec((1, H), lambda i: (0, 0)),
            pl.BlockSpec((C, H), lambda i: (0, 0)),
            pl.BlockSpec((1, C), lambda i: (0, 0)),
        ],
        out_specs=pl.BlockSpec((BLK, C), lambda i: (i, 0)),
        out_shape=jax.ShapeDtypeStruct((B, C), jnp.float32),
    )


def kernel(text, offsets, emb_table, W_h, b_h, W_fc, b_fc):
    T = text.shape[0]
    B = offsets.shape[0]
    V, D = emb_table.shape
    H = W_h.shape[0]
    C = W_fc.shape[0]

    textA = text[:B].reshape(_NW, B // (_NW * _CH), _CH)
    textB = text[B:].reshape(_NW, (T - B) // (_NW * _CH), _CH)

    gathered, partials = _make_sc_embed(B, T, V, D)(textA, textB, emb_table)
    mlp = _make_tc_mlp(B, T, D, H, C, BLK=2048)
    return mlp(gathered, partials.reshape(_NW, D), W_h, b_h.reshape(1, H),
               W_fc, b_fc.reshape(1, C))

# --- scband reference (transcript-rebuilt; emitter-appended) ---
"""Pipeline reference for scband-pretrained-embedding-mlpmodel-27264452395288 (READ-ONLY COPY).

The authoritative reference and input builder live on the scoring server;
editing this copy changes nothing except your own understanding.
"""

import jax, jax.numpy as jnp
import numpy as np

B = 16384   # number of bags (batch)
T = 819200  # total tokens
V = 1000000 # vocab
D = 64      # embedding dim
H = 256     # hidden_layers
C = 16      # num_class


def setup_inputs(seed: int = 0) -> dict:
    key = jax.random.key(seed)
    k1, k2, k3, k4 = jax.random.split(key, 4)
    text = jax.random.randint(k1, (T,), 0, V, dtype=jnp.int32)
    offsets = jnp.arange(B, dtype=jnp.int32)
    emb_table = jax.random.normal(k2, (V, D), dtype=jnp.float32)
    W_h = jax.random.uniform(k3, (H, D), minval=-0.5, maxval=0.5, dtype=jnp.float32)
    b_h = jnp.zeros((H,), dtype=jnp.float32)
    W_fc = jax.random.uniform(k4, (C, H), minval=-0.5, maxval=0.5, dtype=jnp.float32)
    b_fc = jnp.zeros((C,), dtype=jnp.float32)
    return {"text": text, "offsets": offsets, "emb_table": emb_table,
            "W_h": W_h, "b_h": b_h, "W_fc": W_fc, "b_fc": b_fc}


def reference(text, offsets, emb_table, W_h, b_h, W_fc, b_fc):
    T_ = text.shape[0]
    B_ = offsets.shape[0]
    # nn.EmbeddingBag (mode='mean'): gather then per-bag mean using offsets
    gathered = jnp.take(emb_table, text, axis=0)  # [T, D]
    pos = jnp.arange(T_, dtype=offsets.dtype)
    seg_ids = jnp.searchsorted(offsets, pos, side='right') - 1  # [T]
    sums = jax.ops.segment_sum(gathered, seg_ids, num_segments=B_)  # [B, D]
    counts = jax.ops.segment_sum(jnp.ones((T_,), jnp.float32), seg_ids, num_segments=B_)
    embedded = sums / jnp.maximum(counts, 1.0)[:, None]  # [B, D]
    hidden_x = embedded @ W_h.T + b_h  # [B, H]
    out = hidden_x @ W_fc.T + b_fc     # [B, C]
    return out

if __name__ == "__main__":
    import jax
    _d = setup_inputs()
    print(jax.jit(kernel)(*tuple(_d.values())))

</pallas_src>

<mosaic_0001>
#map = affine_map<(d0, d1) -> (0, 0, 0)>
#map1 = affine_map<(d0, d1) -> (0, 0)>
module attributes {stable_mosaic.version = 14 : i64} {
  func.func @sc_embed(%arg0: i32, %arg1: i32, %arg2: memref<32x4x128xi32, #tpu.memory_space<hbm>>, %arg3: memref<32x196x128xi32, #tpu.memory_space<hbm>>, %arg4: memref<1000000x64xf32, #tpu.memory_space<hbm>>, %arg5: memref<16384x64xf32, #tpu.memory_space<hbm>>, %arg6: memref<32x1x64xf32, #tpu.memory_space<hbm>>, %arg7: memref<4x128xi32, #tpu.memory_space<vmem>>, %arg8: memref<196x128xi32, #tpu.memory_space<vmem>>, %arg9: memref<512x64xf32, #tpu.memory_space<vmem>>, %arg10: memref<512x64xf32, #tpu.memory_space<vmem>>, %arg11: memref<1x64xf32, #tpu.memory_space<vmem>>, %arg12: memref<!tpu.dma_semaphore, #tpu.memory_space<semaphore_mem>>, %arg13: memref<!tpu.dma_semaphore, #tpu.memory_space<semaphore_mem>>) attributes {dimension_semantics = [#tpu.dimension_semantics<core_parallel>, #tpu.dimension_semantics<subcore_parallel>], iteration_bounds = array<i64: 2, 16>, scalar_prefetch = 0 : i64, scratch_operands = 7 : i64, tpu.core_type = #tpu.core_type<sc_vector_subcore>, window_params = [{transform_indices = #map}, {transform_indices = #map}, {transform_indices = #map1}, {transform_indices = #map1}, {transform_indices = #map}]} {
    %mul3A = arith.constant 2 : i32
    %mul3A_0 = arith.muli %arg1, %mul3A : i32
    %add3A = arith.addi %mul3A_0, %arg0 : i32
    "tpu.region"() ({
      %run_scoped3A = tpu.sem_alloc : memref<!tpu.dma_semaphore, #tpu.memory_space<semaphore_mem>>
      %dma_start3A_146 = arith.constant 0 : i32
      %dma_start3A_147 = arith.constant 0 : i32
      %dma_start3A_148 = tpu.memref_slice %arg2[%add3A, %dma_start3A_146, %dma_start3A_147] : memref<32x4x128xi32, #tpu.memory_space<hbm>> -> memref<1x4x128xi32, #tpu.memory_space<hbm>>
      %dma_start3A_149 = tpu.memref_squeeze %dma_start3A_148 : memref<1x4x128xi32, #tpu.memory_space<hbm>> -> memref<4x128xi32, #tpu.memory_space<hbm>>
      %dma_start3A_150 = arith.constant 0 : i32
      %dma_start3A_151 = arith.constant 0 : i32
      %dma_start3A_152 = tpu.memref_slice %arg2[%add3A, %dma_start3A_150, %dma_start3A_151] : memref<32x4x128xi32, #tpu.memory_space<hbm>> -> memref<1x4x128xi32, #tpu.memory_space<hbm>>
      %dma_start3A_153 = tpu.memref_squeeze %dma_start3A_152 : memref<1x4x128xi32, #tpu.memory_space<hbm>> -> memref<4x128xi32, #tpu.memory_space<hbm>>
      tpu.enqueue_dma source(%dma_start3A_153 : memref<4x128xi32, #tpu.memory_space<hbm>>) target(%arg7 : memref<4x128xi32, #tpu.memory_space<vmem>>) target_semaphore(%run_scoped3A : memref<!tpu.dma_semaphore, #tpu.memory_space<semaphore_mem>>)
      %dma_wait3A_154 = arith.constant 0 : i32
      %dma_wait3A_155 = arith.constant 0 : i32
      %dma_wait3A_156 = tpu.memref_slice %arg2[%add3A, %dma_wait3A_154, %dma_wait3A_155] : memref<32x4x128xi32, #tpu.memory_space<hbm>> -> memref<1x4x128xi32, #tpu.memory_space<hbm>>
      %dma_wait3A_157 = tpu.memref_squeeze %dma_wait3A_156 : memref<1x4x128xi32, #tpu.memory_space<hbm>> -> memref<4x128xi32, #tpu.memory_space<hbm>>
      %dma_wait3A_158 = arith.constant 0 : i32
      %dma_wait3A_159 = arith.constant 0 : i32
      %dma_wait3A_160 = tpu.memref_slice %arg2[%add3A, %dma_wait3A_158, %dma_wait3A_159] : memref<32x4x128xi32, #tpu.memory_space<hbm>> -> memref<1x4x128xi32, #tpu.memory_space<hbm>>
      %dma_wait3A_161 = tpu.memref_squeeze %dma_wait3A_160 : memref<1x4x128xi32, #tpu.memory_space<hbm>> -> memref<4x128xi32, #tpu.memory_space<hbm>>
      tpu.wait_dma2 semaphore(%run_scoped3A : memref<!tpu.dma_semaphore, #tpu.memory_space<semaphore_mem>>) src(%dma_wait3A_161 : memref<4x128xi32, #tpu.memory_space<hbm>>) dst(%arg7 : memref<4x128xi32, #tpu.memory_space<vmem>>)
      tpu.yield
    }) : () -> ()
    %dma_start3A = arith.constant 0 : i32
    %dma_start3A_1 = arith.constant 0 : i32
    %dma_start3A_2 = arith.constant 0 : i32
    %dma_start3A_3 = tpu.memref_slice %arg9[%dma_start3A_1, %dma_start3A_2] : memref<512x64xf32, #tpu.memory_space<vmem>> -> memref<128x64xf32, #tpu.memory_space<vmem>>
    %dma_start3A_4 = arith.constant 0 : i32
    %dma_start3A_5 = tpu.memref_slice %arg7[%dma_start3A, %dma_start3A_4] : memref<4x128xi32, #tpu.memory_space<vmem>> -> memref<1x128xi32, #tpu.memory_space<vmem>>
    %dma_start3A_6 = tpu.memref_squeeze %dma_start3A_5 : memref<1x128xi32, #tpu.memory_space<vmem>> -> memref<128xi32, #tpu.memory_space<vmem>>
    %dma_start3A_7 = arith.constant 0 : i32
    %dma_start3A_8 = arith.constant 0 : i32
    %dma_start3A_9 = tpu.memref_slice %arg4[%dma_start3A_7, %dma_start3A_8] : memref<1000000x64xf32, #tpu.memory_space<hbm>> -> memref<1000000x64xf32, #tpu.memory_space<hbm>>
    tpu.enqueue_indirect_dma source(%dma_start3A_9 : memref<1000000x64xf32, #tpu.memory_space<hbm>>) target(%dma_start3A_3 : memref<128x64xf32, #tpu.memory_space<vmem>>) offsets(%dma_start3A_6 : memref<128xi32, #tpu.memory_space<vmem>>) semaphore(%arg12 : memref<!tpu.dma_semaphore, #tpu.memory_space<semaphore_mem>>)
    %dma_start3A_10 = arith.constant 1 : i32
    %dma_start3A_11 = arith.constant 128 : i32
    %dma_start3A_12 = arith.constant 0 : i32
    %dma_start3A_13 = tpu.memref_slice %arg9[%dma_start3A_11, %dma_start3A_12] : memref<512x64xf32, #tpu.memory_space<vmem>> -> memref<128x64xf32, #tpu.memory_space<vmem>>
    %dma_start3A_14 = arith.constant 0 : i32
    %dma_start3A_15 = tpu.memref_slice %arg7[%dma_start3A_10, %dma_start3A_14] : memref<4x128xi32, #tpu.memory_space<vmem>> -> memref<1x128xi32, #tpu.memory_space<vmem>>
    %dma_start3A_16 = tpu.memref_squeeze %dma_start3A_15 : memref<1x128xi32, #tpu.memory_space<vmem>> -> memref<128xi32, #tpu.memory_space<vmem>>
    %dma_start3A_17 = arith.constant 0 : i32
    %dma_start3A_18 = arith.constant 0 : i32
    %dma_start3A_19 = tpu.memref_slice %arg4[%dma_start3A_17, %dma_start3A_18] : memref<1000000x64xf32, #tpu.memory_space<hbm>> -> memref<1000000x64xf32, #tpu.memory_space<hbm>>
    tpu.enqueue_indirect_dma source(%dma_start3A_19 : memref<1000000x64xf32, #tpu.memory_space<hbm>>) target(%dma_start3A_13 : memref<128x64xf32, #tpu.memory_space<vmem>>) offsets(%dma_start3A_16 : memref<128xi32, #tpu.memory_space<vmem>>) semaphore(%arg12 : memref<!tpu.dma_semaphore, #tpu.memory_space<semaphore_mem>>)
    %dma_start3A_20 = arith.constant 2 : i32
    %dma_start3A_21 = arith.constant 256 : i32
    %dma_start3A_22 = arith.constant 0 : i32
    %dma_start3A_23 = tpu.memref_slice %arg9[%dma_start3A_21, %dma_start3A_22] : memref<512x64xf32, #tpu.memory_space<vmem>> -> memref<128x64xf32, #tpu.memory_space<vmem>>
    %dma_start3A_24 = arith.constant 0 : i32
    %dma_start3A_25 = tpu.memref_slice %arg7[%dma_start3A_20, %dma_start3A_24] : memref<4x128xi32, #tpu.memory_space<vmem>> -> memref<1x128xi32, #tpu.memory_space<vmem>>
    %dma_start3A_26 = tpu.memref_squeeze %dma_start3A_25 : memref<1x128xi32, #tpu.memory_space<vmem>> -> memref<128xi32, #tpu.memory_space<vmem>>
    %dma_start3A_27 = arith.constant 0 : i32
    %dma_start3A_28 = arith.constant 0 : i32
    %dma_start3A_29 = tpu.memref_slice %arg4[%dma_start3A_27, %dma_start3A_28] : memref<1000000x64xf32, #tpu.memory_space<hbm>> -> memref<1000000x64xf32, #tpu.memory_space<hbm>>
    tpu.enqueue_indirect_dma source(%dma_start3A_29 : memref<1000000x64xf32, #tpu.memory_space<hbm>>) target(%dma_start3A_23 : memref<128x64xf32, #tpu.memory_space<vmem>>) offsets(%dma_start3A_26 : memref<128xi32, #tpu.memory_space<vmem>>) semaphore(%arg12 : memref<!tpu.dma_semaphore, #tpu.memory_space<semaphore_mem>>)
    %dma_start3A_30 = arith.constant 3 : i32
    %dma_start3A_31 = arith.constant 384 : i32
    %dma_start3A_32 = arith.constant 0 : i32
    %dma_start3A_33 = tpu.memref_slice %arg9[%dma_start3A_31, %dma_start3A_32] : memref<512x64xf32, #tpu.memory_space<vmem>> -> memref<128x64xf32, #tpu.memory_space<vmem>>
    %dma_start3A_34 = arith.constant 0 : i32
    %dma_start3A_35 = tpu.memref_slice %arg7[%dma_start3A_30, %dma_start3A_34] : memref<4x128xi32, #tpu.memory_space<vmem>> -> memref<1x128xi32, #tpu.memory_space<vmem>>
    %dma_start3A_36 = tpu.memref_squeeze %dma_start3A_35 : memref<1x128xi32, #tpu.memory_space<vmem>> -> memref<128xi32, #tpu.memory_space<vmem>>
    %dma_start3A_37 = arith.constant 0 : i32
    %dma_start3A_38 = arith.constant 0 : i32
    %dma_start3A_39 = tpu.memref_slice %arg4[%dma_start3A_37, %dma_start3A_38] : memref<1000000x64xf32, #tpu.memory_space<hbm>> -> memref<1000000x64xf32, #tpu.memory_space<hbm>>
    tpu.enqueue_indirect_dma source(%dma_start3A_39 : memref<1000000x64xf32, #tpu.memory_space<hbm>>) target(%dma_start3A_33 : memref<128x64xf32, #tpu.memory_space<vmem>>) offsets(%dma_start3A_36 : memref<128xi32, #tpu.memory_space<vmem>>) semaphore(%arg12 : memref<!tpu.dma_semaphore, #tpu.memory_space<semaphore_mem>>)
    %dma_wait3A = arith.constant 0 : i32
    %dma_wait3A_40 = arith.constant 0 : i32
    %dma_wait3A_41 = tpu.memref_slice %arg9[%dma_wait3A, %dma_wait3A_40] : memref<512x64xf32, #tpu.memory_space<vmem>> -> memref<512x64xf32, #tpu.memory_space<vmem>>
    %dma_wait3A_42 = arith.constant 0 : i32
    %dma_wait3A_43 = arith.constant 0 : i32
    %dma_wait3A_44 = tpu.memref_slice %arg4[%dma_wait3A_42, %dma_wait3A_43] : memref<1000000x64xf32, #tpu.memory_space<hbm>> -> memref<512x64xf32, #tpu.memory_space<hbm>>
    %dma_wait3A_45 = arith.constant 0 : i32
    %dma_wait3A_46 = arith.constant 0 : i32
    %dma_wait3A_47 = tpu.memref_slice %arg9[%dma_wait3A_45, %dma_wait3A_46] : memref<512x64xf32, #tpu.memory_space<vmem>> -> memref<512x64xf32, #tpu.memory_space<vmem>>
    %dma_wait3A_48 = arith.constant 0 : i32
    %dma_wait3A_49 = arith.constant 0 : i32
    %dma_wait3A_50 = tpu.memref_slice %arg4[%dma_wait3A_48, %dma_wait3A_49] : memref<1000000x64xf32, #tpu.memory_space<hbm>> -> memref<512x64xf32, #tpu.memory_space<hbm>>
    tpu.wait_dma2 semaphore(%arg12 : memref<!tpu.dma_semaphore, #tpu.memory_space<semaphore_mem>>) src(%dma_wait3A_50 : memref<512x64xf32, #tpu.memory_space<hbm>>) dst(%dma_wait3A_47 : memref<512x64xf32, #tpu.memory_space<vmem>>)
    %mul3A_51 = arith.constant 512 : i32
    %mul3A_52 = arith.muli %add3A, %mul3A_51 : i32
    "tpu.region"() ({
      %run_scoped3A = tpu.sem_alloc : memref<!tpu.dma_semaphore, #tpu.memory_space<semaphore_mem>>
      %dma_start3A_146 = arith.constant 0 : i32
      %dma_start3A_147 = arith.constant 0 : i32
      %dma_start3A_148 = tpu.memref_slice %arg9[%dma_start3A_146, %dma_start3A_147] : memref<512x64xf32, #tpu.memory_space<vmem>> -> memref<512x64xf32, #tpu.memory_space<vmem>>
      %dma_start3A_149 = arith.constant 0 : i32
      %dma_start3A_150 = tpu.memref_slice %arg5[%mul3A_52, %dma_start3A_149] : memref<16384x64xf32, #tpu.memory_space<hbm>> -> memref<512x64xf32, #tpu.memory_space<hbm>>
      %dma_start3A_151 = arith.constant 0 : i32
      %dma_start3A_152 = tpu.memref_slice %arg5[%mul3A_52, %dma_start3A_151] : memref<16384x64xf32, #tpu.memory_space<hbm>> -> memref<512x64xf32, #tpu.memory_space<hbm>>
      %dma_start3A_153 = arith.constant 0 : i32
      %dma_start3A_154 = arith.constant 0 : i32
      %dma_start3A_155 = tpu.memref_slice %arg9[%dma_start3A_153, %dma_start3A_154] : memref<512x64xf32, #tpu.memory_space<vmem>> -> memref<512x64xf32, #tpu.memory_space<vmem>>
      tpu.enqueue_dma source(%dma_start3A_155 : memref<512x64xf32, #tpu.memory_space<vmem>>) target(%dma_start3A_152 : memref<512x64xf32, #tpu.memory_space<hbm>>) target_semaphore(%run_scoped3A : memref<!tpu.dma_semaphore, #tpu.memory_space<semaphore_mem>>)
      %dma_wait3A_156 = arith.constant 0 : i32
      %dma_wait3A_157 = arith.constant 0 : i32
      %dma_wait3A_158 = tpu.memref_slice %arg9[%dma_wait3A_156, %dma_wait3A_157] : memref<512x64xf32, #tpu.memory_space<vmem>> -> memref<512x64xf32, #tpu.memory_space<vmem>>
      %dma_wait3A_159 = arith.constant 0 : i32
      %dma_wait3A_160 = tpu.memref_slice %arg5[%mul3A_52, %dma_wait3A_159] : memref<16384x64xf32, #tpu.memory_space<hbm>> -> memref<512x64xf32, #tpu.memory_space<hbm>>
      %dma_wait3A_161 = arith.constant 0 : i32
      %dma_wait3A_162 = tpu.memref_slice %arg5[%mul3A_52, %dma_wait3A_161] : memref<16384x64xf32, #tpu.memory_space<hbm>> -> memref<512x64xf32, #tpu.memory_space<hbm>>
      %dma_wait3A_163 = arith.constant 0 : i32
      %dma_wait3A_164 = arith.constant 0 : i32
      %dma_wait3A_165 = tpu.memref_slice %arg9[%dma_wait3A_163, %dma_wait3A_164] : memref<512x64xf32, #tpu.memory_space<vmem>> -> memref<512x64xf32, #tpu.memory_space<vmem>>
      tpu.wait_dma2 semaphore(%run_scoped3A : memref<!tpu.dma_semaphore, #tpu.memory_space<semaphore_mem>>) src(%dma_wait3A_165 : memref<512x64xf32, #tpu.memory_space<vmem>>) dst(%dma_wait3A_162 : memref<512x64xf32, #tpu.memory_space<hbm>>)
      tpu.yield
    }) : () -> ()
    "tpu.region"() ({
      %run_scoped3A = tpu.sem_alloc : memref<!tpu.dma_semaphore, #tpu.memory_space<semaphore_mem>>
      %dma_start3A_146 = arith.constant 0 : i32
      %dma_start3A_147 = arith.constant 0 : i32
      %dma_start3A_148 = tpu.memref_slice %arg3[%add3A, %dma_start3A_146, %dma_start3A_147] : memref<32x196x128xi32, #tpu.memory_space<hbm>> -> memref<1x196x128xi32, #tpu.memory_space<hbm>>
      %dma_start3A_149 = tpu.memref_squeeze %dma_start3A_148 : memref<1x196x128xi32, #tpu.memory_space<hbm>> -> memref<196x128xi32, #tpu.memory_space<hbm>>
      %dma_start3A_150 = arith.constant 0 : i32
      %dma_start3A_151 = arith.constant 0 : i32
      %dma_start3A_152 = tpu.memref_slice %arg3[%add3A, %dma_start3A_150, %dma_start3A_151] : memref<32x196x128xi32, #tpu.memory_space<hbm>> -> memref<1x196x128xi32, #tpu.memory_space<hbm>>
      %dma_start3A_153 = tpu.memref_squeeze %dma_start3A_152 : memref<1x196x128xi32, #tpu.memory_space<hbm>> -> memref<196x128xi32, #tpu.memory_space<hbm>>
      tpu.enqueue_dma source(%dma_start3A_153 : memref<196x128xi32, #tpu.memory_space<hbm>>) target(%arg8 : memref<196x128xi32, #tpu.memory_space<vmem>>) target_semaphore(%run_scoped3A : memref<!tpu.dma_semaphore, #tpu.memory_space<semaphore_mem>>)
      %dma_wait3A_154 = arith.constant 0 : i32
      %dma_wait3A_155 = arith.constant 0 : i32
      %dma_wait3A_156 = tpu.memref_slice %arg3[%add3A, %dma_wait3A_154, %dma_wait3A_155] : memref<32x196x128xi32, #tpu.memory_space<hbm>> -> memref<1x196x128xi32, #tpu.memory_space<hbm>>
      %dma_wait3A_157 = tpu.memref_squeeze %dma_wait3A_156 : memref<1x196x128xi32, #tpu.memory_space<hbm>> -> memref<196x128xi32, #tpu.memory_space<hbm>>
      %dma_wait3A_158 = arith.constant 0 : i32
      %dma_wait3A_159 = arith.constant 0 : i32
      %dma_wait3A_160 = tpu.memref_slice %arg3[%add3A, %dma_wait3A_158, %dma_wait3A_159] : memref<32x196x128xi32, #tpu.memory_space<hbm>> -> memref<1x196x128xi32, #tpu.memory_space<hbm>>
      %dma_wait3A_161 = tpu.memref_squeeze %dma_wait3A_160 : memref<1x196x128xi32, #tpu.memory_space<hbm>> -> memref<196x128xi32, #tpu.memory_space<hbm>>
      tpu.wait_dma2 semaphore(%run_scoped3A : memref<!tpu.dma_semaphore, #tpu.memory_space<semaphore_mem>>) src(%dma_wait3A_161 : memref<196x128xi32, #tpu.memory_space<hbm>>) dst(%arg8 : memref<196x128xi32, #tpu.memory_space<vmem>>)
      tpu.yield
    }) : () -> ()
    %dma_start3A_53 = arith.constant 0 : i32
    %dma_start3A_54 = arith.constant 0 : i32
    %dma_start3A_55 = arith.constant 0 : i32
    %dma_start3A_56 = tpu.memref_slice %arg9[%dma_start3A_54, %dma_start3A_55] : memref<512x64xf32, #tpu.memory_space<vmem>> -> memref<128x64xf32, #tpu.memory_space<vmem>>
    %dma_start3A_57 = arith.constant 0 : i32
    %dma_start3A_58 = tpu.memref_slice %arg8[%dma_start3A_53, %dma_start3A_57] : memref<196x128xi32, #tpu.memory_space<vmem>> -> memref<1x128xi32, #tpu.memory_space<vmem>>
    %dma_start3A_59 = tpu.memref_squeeze %dma_start3A_58 : memref<1x128xi32, #tpu.memory_space<vmem>> -> memref<128xi32, #tpu.memory_space<vmem>>
    %dma_start3A_60 = arith.constant 0 : i32
    %dma_start3A_61 = arith.constant 0 : i32
    %dma_start3A_62 = tpu.memref_slice %arg4[%dma_start3A_60, %dma_start3A_61] : memref<1000000x64xf32, #tpu.memory_space<hbm>> -> memref<1000000x64xf32, #tpu.memory_space<hbm>>
    tpu.enqueue_indirect_dma source(%dma_start3A_62 : memref<1000000x64xf32, #tpu.memory_space<hbm>>) target(%dma_start3A_56 : memref<128x64xf32, #tpu.memory_space<vmem>>) offsets(%dma_start3A_59 : memref<128xi32, #tpu.memory_space<vmem>>) semaphore(%arg12 : memref<!tpu.dma_semaphore, #tpu.memory_space<semaphore_mem>>)
    %dma_start3A_63 = arith.constant 1 : i32
    %dma_start3A_64 = arith.constant 128 : i32
    %dma_start3A_65 = arith.constant 0 : i32
    %dma_start3A_66 = tpu.memref_slice %arg9[%dma_start3A_64, %dma_start3A_65] : memref<512x64xf32, #tpu.memory_space<vmem>> -> memref<128x64xf32, #tpu.memory_space<vmem>>
    %dma_start3A_67 = arith.constant 0 : i32
    %dma_start3A_68 = tpu.memref_slice %arg8[%dma_start3A_63, %dma_start3A_67] : memref<196x128xi32, #tpu.memory_space<vmem>> -> memref<1x128xi32, #tpu.memory_space<vmem>>
    %dma_start3A_69 = tpu.memref_squeeze %dma_start3A_68 : memref<1x128xi32, #tpu.memory_space<vmem>> -> memref<128xi32, #tpu.memory_space<vmem>>
    %dma_start3A_70 = arith.constant 0 : i32
    %dma_start3A_71 = arith.constant 0 : i32
    %dma_start3A_72 = tpu.memref_slice %arg4[%dma_start3A_70, %dma_start3A_71] : memref<1000000x64xf32, #tpu.memory_space<hbm>> -> memref<1000000x64xf32, #tpu.memory_space<hbm>>
    tpu.enqueue_indirect_dma source(%dma_start3A_72 : memref<1000000x64xf32, #tpu.memory_space<hbm>>) target(%dma_start3A_66 : memref<128x64xf32, #tpu.memory_space<vmem>>) offsets(%dma_start3A_69 : memref<128xi32, #tpu.memory_space<vmem>>) semaphore(%arg12 : memref<!tpu.dma_semaphore, #tpu.memory_space<semaphore_mem>>)
    %dma_start3A_73 = arith.constant 2 : i32
    %dma_start3A_74 = arith.constant 256 : i32
    %dma_start3A_75 = arith.constant 0 : i32
    %dma_start3A_76 = tpu.memref_slice %arg9[%dma_start3A_74, %dma_start3A_75] : memref<512x64xf32, #tpu.memory_space<vmem>> -> memref<128x64xf32, #tpu.memory_space<vmem>>
    %dma_start3A_77 = arith.constant 0 : i32
    %dma_start3A_78 = tpu.memref_slice %arg8[%dma_start3A_73, %dma_start3A_77] : memref<196x128xi32, #tpu.memory_space<vmem>> -> memref<1x128xi32, #tpu.memory_space<vmem>>
    %dma_start3A_79 = tpu.memref_squeeze %dma_start3A_78 : memref<1x128xi32, #tpu.memory_space<vmem>> -> memref<128xi32, #tpu.memory_space<vmem>>
    %dma_start3A_80 = arith.constant 0 : i32
    %dma_start3A_81 = arith.constant 0 : i32
    %dma_start3A_82 = tpu.memref_slice %arg4[%dma_start3A_80, %dma_start3A_81] : memref<1000000x64xf32, #tpu.memory_space<hbm>> -> memref<1000000x64xf32, #tpu.memory_space<hbm>>
    tpu.enqueue_indirect_dma source(%dma_start3A_82 : memref<1000000x64xf32, #tpu.memory_space<hbm>>) target(%dma_start3A_76 : memref<128x64xf32, #tpu.memory_space<vmem>>) offsets(%dma_start3A_79 : memref<128xi32, #tpu.memory_space<vmem>>) semaphore(%arg12 : memref<!tpu.dma_semaphore, #tpu.memory_space<semaphore_mem>>)
    %dma_start3A_83 = arith.constant 3 : i32
    %dma_start3A_84 = arith.constant 384 : i32
    %dma_start3A_85 = arith.constant 0 : i32
    %dma_start3A_86 = tpu.memref_slice %arg9[%dma_start3A_84, %dma_start3A_85] : memref<512x64xf32, #tpu.memory_space<vmem>> -> memref<128x64xf32, #tpu.memory_space<vmem>>
    %dma_start3A_87 = arith.constant 0 : i32
    %dma_start3A_88 = tpu.memref_slice %arg8[%dma_start3A_83, %dma_start3A_87] : memref<196x128xi32, #tpu.memory_space<vmem>> -> memref<1x128xi32, #tpu.memory_space<vmem>>
    %dma_start3A_89 = tpu.memref_squeeze %dma_start3A_88 : memref<1x128xi32, #tpu.memory_space<vmem>> -> memref<128xi32, #tpu.memory_space<vmem>>
    %dma_start3A_90 = arith.constant 0 : i32
    %dma_start3A_91 = arith.constant 0 : i32
    %dma_start3A_92 = tpu.memref_slice %arg4[%dma_start3A_90, %dma_start3A_91] : memref<1000000x64xf32, #tpu.memory_space<hbm>> -> memref<1000000x64xf32, #tpu.memory_space<hbm>>
    tpu.enqueue_indirect_dma source(%dma_start3A_92 : memref<1000000x64xf32, #tpu.memory_space<hbm>>) target(%dma_start3A_86 : memref<128x64xf32, #tpu.memory_space<vmem>>) offsets(%dma_start3A_89 : memref<128xi32, #tpu.memory_space<vmem>>) semaphore(%arg12 : memref<!tpu.dma_semaphore, #tpu.memory_space<semaphore_mem>>)
    %broadcast_in_dim3A = arith.constant 0.000000e+00 : f32
    %broadcast_in_dim3A_93 = vector.broadcast %broadcast_in_dim3A : f32 to vector<16xf32>
    %scan3A = arith.constant 0 : i32
    %scan3A_94 = arith.constant 24 : i32
    %scan3A_95 = arith.addi %scan3A, %scan3A_94 : i32
    %scan3A_96 = arith.constant 1 : i32
    %scan3A_97:16 = scf.for %scan3A_146 = %scan3A to %scan3A_95 step %scan3A_96 iter_args(%scan3A_147 = %broadcast_in_dim3A_93, %scan3A_148 = %broadcast_in_dim3A_93, %scan3A_149 = %broadcast_in_dim3A_93, %scan3A_150 = %broadcast_in_dim3A_93, %scan3A_151 = %broadcast_in_dim3A_93, %scan3A_152 = %broadcast_in_dim3A_93, %scan3A_153 = %broadcast_in_dim3A_93, %scan3A_154 = %broadcast_in_dim3A_93, %scan3A_155 = %broadcast_in_dim3A_93, %scan3A_156 = %broadcast_in_dim3A_93, %scan3A_157 = %broadcast_in_dim3A_93, %scan3A_158 = %broadcast_in_dim3A_93, %scan3A_159 = %broadcast_in_dim3A_93, %scan3A_160 = %broadcast_in_dim3A_93, %scan3A_161 = %broadcast_in_dim3A_93, %scan3A_162 = %broadcast_in_dim3A_93) -> (vector<16xf32>, vector<16xf32>, vector<16xf32>, vector<16xf32>, vector<16xf32>, vector<16xf32>, vector<16xf32>, vector<16xf32>, vector<16xf32>, vector<16xf32>, vector<16xf32>, vector<16xf32>, vector<16xf32>, vector<16xf32>, vector<16xf32>, vector<16xf32>)  : i32 {
      %mul3A_163 = arith.constant 2 : i32
      %mul3A_164 = arith.muli %mul3A_163, %scan3A_146 : i32
      %add3A_165 = arith.constant 1 : i32
      %add3A_166 = arith.addi %mul3A_164, %add3A_165 : i32
      %mul3A_167 = arith.constant 4 : i32
      %mul3A_168 = arith.muli %add3A_166, %mul3A_167 : i32
      %add3A_169 = arith.constant 0 : i32
      %add3A_170 = arith.addi %mul3A_168, %add3A_169 : i32
      %dma_start3A_171 = arith.constant 0 : i32
      %dma_start3A_172 = arith.constant 0 : i32
      %dma_start3A_173 = tpu.memref_slice %arg10[%dma_start3A_171, %dma_start3A_172] : memref<512x64xf32, #tpu.memory_space<vmem>> -> memref<128x64xf32, #tpu.memory_space<vmem>>
      %dma_start3A_174 = arith.constant 0 : i32
      %dma_start3A_175 = tpu.memref_slice %arg8[%add3A_170, %dma_start3A_174] : memref<196x128xi32, #tpu.memory_space<vmem>> -> memref<1x128xi32, #tpu.memory_space<vmem>>
      %dma_start3A_176 = tpu.memref_squeeze %dma_start3A_175 : memref<1x128xi32, #tpu.memory_space<vmem>> -> memref<128xi32, #tpu.memory_space<vmem>>
      %dma_start3A_177 = arith.constant 0 : i32
      %dma_start3A_178 = arith.constant 0 : i32
      %dma_start3A_179 = tpu.memref_slice %arg4[%dma_start3A_177, %dma_start3A_178] : memref<1000000x64xf32, #tpu.memory_space<hbm>> -> memref<1000000x64xf32, #tpu.memory_space<hbm>>
      tpu.enqueue_indirect_dma source(%dma_start3A_179 : memref<1000000x64xf32, #tpu.memory_space<hbm>>) target(%dma_start3A_173 : memref<128x64xf32, #tpu.memory_space<vmem>>) offsets(%dma_start3A_176 : memref<128xi32, #tpu.memory_space<vmem>>) semaphore(%arg13 : memref<!tpu.dma_semaphore, #tpu.memory_space<semaphore_mem>>)
      %mul3A_180 = arith.constant 4 : i32
      %mul3A_181 = arith.muli %add3A_166, %mul3A_180 : i32
      %add3A_182 = arith.constant 1 : i32
      %add3A_183 = arith.addi %mul3A_181, %add3A_182 : i32
      %dma_start3A_184 = arith.constant 128 : i32
      %dma_start3A_185 = arith.constant 0 : i32
      %dma_start3A_186 = tpu.memref_slice %arg10[%dma_start3A_184, %dma_start3A_185] : memref<512x64xf32, #tpu.memory_space<vmem>> -> memref<128x64xf32, #tpu.memory_space<vmem>>
      %dma_start3A_187 = arith.constant 0 : i32
      %dma_start3A_188 = tpu.memref_slice %arg8[%add3A_183, %dma_start3A_187] : memref<196x128xi32, #tpu.memory_space<vmem>> -> memref<1x128xi32, #tpu.memory_space<vmem>>
      %dma_start3A_189 = tpu.memref_squeeze %dma_start3A_188 : memref<1x128xi32, #tpu.memory_space<vmem>> -> memref<128xi32, #tpu.memory_space<vmem>>
      %dma_start3A_190 = arith.constant 0 : i32
      %dma_start3A_191 = arith.constant 0 : i32
      %dma_start3A_192 = tpu.memref_slice %arg4[%dma_start3A_190, %dma_start3A_191] : memref<1000000x64xf32, #tpu.memory_space<hbm>> -> memref<1000000x64xf32, #tpu.memory_space<hbm>>
      tpu.enqueue_indirect_dma source(%dma_start3A_192 : memref<1000000x64xf32, #tpu.memory_space<hbm>>) target(%dma_start3A_186 : memref<128x64xf32, #tpu.memory_space<vmem>>) offsets(%dma_start3A_189 : memref<128xi32, #tpu.memory_space<vmem>>) semaphore(%arg13 : memref<!tpu.dma_semaphore, #tpu.memory_space<semaphore_mem>>)
      %mul3A_193 = arith.constant 4 : i32
      %mul3A_194 = arith.muli %add3A_166, %mul3A_193 : i32
      %add3A_195 = arith.constant 2 : i32
      %add3A_196 = arith.addi %mul3A_194, %add3A_195 : i32
      %dma_start3A_197 = arith.constant 256 : i32
      %dma_start3A_198 = arith.constant 0 : i32
      %dma_start3A_199 = tpu.memref_slice %arg10[%dma_start3A_197, %dma_start3A_198] : memref<512x64xf32, #tpu.memory_space<vmem>> -> memref<128x64xf32, #tpu.memory_space<vmem>>
      %dma_start3A_200 = arith.constant 0 : i32
      %dma_start3A_201 = tpu.memref_slice %arg8[%add3A_196, %dma_start3A_200] : memref<196x128xi32, #tpu.memory_space<vmem>> -> memref<1x128xi32, #tpu.memory_space<vmem>>
      %dma_start3A_202 = tpu.memref_squeeze %dma_start3A_201 : memref<1x128xi32, #tpu.memory_space<vmem>> -> memref<128xi32, #tpu.memory_space<vmem>>
      %dma_start3A_203 = arith.constant 0 : i32
      %dma_start3A_204 = arith.constant 0 : i32
      %dma_start3A_205 = tpu.memref_slice %arg4[%dma_start3A_203, %dma_start3A_204] : memref<1000000x64xf32, #tpu.memory_space<hbm>> -> memref<1000000x64xf32, #tpu.memory_space<hbm>>
      tpu.enqueue_indirect_dma source(%dma_start3A_205 : memref<1000000x64xf32, #tpu.memory_space<hbm>>) target(%dma_start3A_199 : memref<128x64xf32, #tpu.memory_space<vmem>>) offsets(%dma_start3A_202 : memref<128xi32, #tpu.memory_space<vmem>>) semaphore(%arg13 : memref<!tpu.dma_semaphore, #tpu.memory_space<semaphore_mem>>)
      %mul3A_206 = arith.constant 4 : i32
      %mul3A_207 = arith.muli %add3A_166, %mul3A_206 : i32
      %add3A_208 = arith.constant 3 : i32
      %add3A_209 = arith.addi %mul3A_207, %add3A_208 : i32
      %dma_start3A_210 = arith.constant 384 : i32
      %dma_start3A_211 = arith.constant 0 : i32
      %dma_start3A_212 = tpu.memref_slice %arg10[%dma_start3A_210, %dma_start3A_211] : memref<512x64xf32, #tpu.memory_space<vmem>> -> memref<128x64xf32, #tpu.memory_space<vmem>>
      %dma_start3A_213 = arith.constant 0 : i32
      %dma_start3A_214 = tpu.memref_slice %arg8[%add3A_209, %dma_start3A_213] : memref<196x128xi32, #tpu.memory_space<vmem>> -> memref<1x128xi32, #tpu.memory_space<vmem>>
      %dma_start3A_215 = tpu.memref_squeeze %dma_start3A_214 : memref<1x128xi32, #tpu.memory_space<vmem>> -> memref<128xi32, #tpu.memory_space<vmem>>
      %dma_start3A_216 = arith.constant 0 : i32
      %dma_start3A_217 = arith.constant 0 : i32
      %dma_start3A_218 = tpu.memref_slice %arg4[%dma_start3A_216, %dma_start3A_217] : memref<1000000x64xf32, #tpu.memory_space<hbm>> -> memref<1000000x64xf32, #tpu.memory_space<hbm>>
      tpu.enqueue_indirect_dma source(%dma_start3A_218 : memref<1000000x64xf32, #tpu.memory_space<hbm>>) target(%dma_start3A_212 : memref<128x64xf32, #tpu.memory_space<vmem>>) offsets(%dma_start3A_215 : memref<128xi32, #tpu.memory_space<vmem>>) semaphore(%arg13 : memref<!tpu.dma_semaphore, #tpu.memory_space<semaphore_mem>>)
      %dma_wait3A_219 = arith.constant 0 : i32
      %dma_wait3A_220 = arith.constant 0 : i32
      %dma_wait3A_221 = tpu.memref_slice %arg4[%dma_wait3A_219, %dma_wait3A_220] : memref<1000000x64xf32, #tpu.memory_space<hbm>> -> memref<512x64xf32, #tpu.memory_space<hbm>>
      %dma_wait3A_222 = arith.constant 0 : i32
      %dma_wait3A_223 = arith.constant 0 : i32
      %dma_wait3A_224 = tpu.memref_slice %arg4[%dma_wait3A_222, %dma_wait3A_223] : memref<1000000x64xf32, #tpu.memory_space<hbm>> -> memref<512x64xf32, #tpu.memory_space<hbm>>
      tpu.wait_dma2 semaphore(%arg12 : memref<!tpu.dma_semaphore, #tpu.memory_space<semaphore_mem>>) src(%dma_wait3A_224 : memref<512x64xf32, #tpu.memory_space<hbm>>) dst(%arg9 : memref<512x64xf32, #tpu.memory_space<vmem>>)
      %scan3A_225 = arith.constant 0 : i32
      %scan3A_226 = arith.constant 128 : i32
      %scan3A_227 = arith.addi %scan3A_225, %scan3A_226 : i32
      %scan3A_228 = arith.constant 1 : i32
      %scan3A_229:16 = scf.for %scan3A_299 = %scan3A_225 to %scan3A_227 step %scan3A_228 iter_args(%scan3A_300 = %scan3A_147, %scan3A_301 = %scan3A_148, %scan3A_302 = %scan3A_149, %scan3A_303 = %scan3A_150, %scan3A_304 = %scan3A_151, %scan3A_305 = %scan3A_152, %scan3A_306 = %scan3A_153, %scan3A_307 = %scan3A_154, %scan3A_308 = %scan3A_155, %scan3A_309 = %scan3A_156, %scan3A_310 = %scan3A_157, %scan3A_311 = %scan3A_158, %scan3A_312 = %scan3A_159, %scan3A_313 = %scan3A_160, %scan3A_314 = %scan3A_161, %scan3A_315 = %scan3A_162) -> (vector<16xf32>, vector<16xf32>, vector<16xf32>, vector<16xf32>, vector<16xf32>, vector<16xf32>, vector<16xf32>, vector<16xf32>, vector<16xf32>, vector<16xf32>, vector<16xf32>, vector<16xf32>, vector<16xf32>, vector<16xf32>, vector<16xf32>, vector<16xf32>)  : i32 {
        %mul3A_316 = arith.constant 4 : i32
        %mul3A_317 = arith.muli %scan3A_299, %mul3A_316 : i32
        %add3A_318 = arith.constant 0 : i32
        %add3A_319 = arith.addi %mul3A_317, %add3A_318 : i32
        %get3A = arith.index_cast %add3A_319 : i32 to index
        %get3A_320 = arith.constant 0 : index
        %get3A_321 = tpu.vector_load %arg9[%get3A, %get3A_320] {strides = array<i32>} : memref<512x64xf32, #tpu.memory_space<vmem>>, vector<1x16xf32>,
        %get3A_322 = vector.shape_cast %get3A_321 : vector<1x16xf32> to vector<16xf32>
        %add3A_323 = arith.addf %scan3A_300, %get3A_322 : vector<16xf32>
        %mul3A_324 = arith.constant 4 : i32
        %mul3A_325 = arith.muli %scan3A_299, %mul3A_324 : i32
        %add3A_326 = arith.constant 0 : i32
        %add3A_327 = arith.addi %mul3A_325, %add3A_326 : i32
        %get3A_328 = arith.index_cast %add3A_327 : i32 to index
        %get3A_329 = arith.constant 16 : index
        %get3A_330 = tpu.vector_load %arg9[%get3A_328, %get3A_329] {strides = array<i32>} : memref<512x64xf32, #tpu.memory_space<vmem>>, vector<1x16xf32>,
        %get3A_331 = vector.shape_cast %get3A_330 : vector<1x16xf32> to vector<16xf32>
        %add3A_332 = arith.addf %scan3A_301, %get3A_331 : vector<16xf32>
        %mul3A_333 = arith.constant 4 : i32
        %mul3A_334 = arith.muli %scan3A_299, %mul3A_333 : i32
        %add3A_335 = arith.constant 0 : i32
        %add3A_336 = arith.addi %mul3A_334, %add3A_335 : i32
        %get3A_337 = arith.index_cast %add3A_336 : i32 to index
        %get3A_338 = arith.constant 32 : index
        %get3A_339 = tpu.vector_load %arg9[%get3A_337, %get3A_338] {strides = array<i32>} : memref<512x64xf32, #tpu.memory_space<vmem>>, vector<1x16xf32>,
        %get3A_340 = vector.shape_cast %get3A_339 : vector<1x16xf32> to vector<16xf32>
        %add3A_341 = arith.addf %scan3A_302, %get3A_340 : vector<16xf32>
        %mul3A_342 = arith.constant 4 : i32
        %mul3A_343 = arith.muli %scan3A_299, %mul3A_342 : i32
        %add3A_344 = arith.constant 0 : i32
        %add3A_345 = arith.addi %mul3A_343, %add3A_344 : i32
        %get3A_346 = arith.index_cast %add3A_345 : i32 to index
        %get3A_347 = arith.constant 48 : index
        %get3A_348 = tpu.vector_load %arg9[%get3A_346, %get3A_347] {strides = array<i32>} : memref<512x64xf32, #tpu.memory_space<vmem>>, vector<1x16xf32>,
        %get3A_349 = vector.shape_cast %get3A_348 : vector<1x16xf32> to vector<16xf32>
        %add3A_350 = arith.addf %scan3A_303, %get3A_349 : vector<16xf32>
        %mul3A_351 = arith.constant 4 : i32
        %mul3A_352 = arith.muli %scan3A_299, %mul3A_351 : i32
        %add3A_353 = arith.constant 1 : i32
        %add3A_354 = arith.addi %mul3A_352, %add3A_353 : i32
        %get3A_355 = arith.index_cast %add3A_354 : i32 to index
        %get3A_356 = arith.constant 0 : index
        %get3A_357 = tpu.vector_load %arg9[%get3A_355, %get3A_356] {strides = array<i32>} : memref<512x64xf32, #tpu.memory_space<vmem>>, vector<1x16xf32>,
        %get3A_358 = vector.shape_cast %get3A_357 : vector<1x16xf32> to vector<16xf32>
        %add3A_359 = arith.addf %scan3A_304, %get3A_358 : vector<16xf32>
        %mul3A_360 = arith.constant 4 : i32
        %mul3A_361 = arith.muli %scan3A_299, %mul3A_360 : i32
        %add3A_362 = arith.constant 1 : i32
        %add3A_363 = arith.addi %mul3A_361, %add3A_362 : i32
        %get3A_364 = arith.index_cast %add3A_363 : i32 to index
        %get3A_365 = arith.constant 16 : index
        %get3A_366 = tpu.vector_load %arg9[%get3A_364, %get3A_365] {strides = array<i32>} : memref<512x64xf32, #tpu.memory_space<vmem>>, vector<1x16xf32>,
        %get3A_367 = vector.shape_cast %get3A_366 : vector<1x16xf32> to vector<16xf32>
        %add3A_368 = arith.addf %scan3A_305, %get3A_367 : vector<16xf32>
        %mul3A_369 = arith.constant 4 : i32
        %mul3A_370 = arith.muli %scan3A_299, %mul3A_369 : i32
        %add3A_371 = arith.constant 1 : i32
        %add3A_372 = arith.addi %mul3A_370, %add3A_371 : i32
        %get3A_373 = arith.index_cast %add3A_372 : i32 to index
        %get3A_374 = arith.constant 32 : index
        %get3A_375 = tpu.vector_load %arg9[%get3A_373, %get3A_374] {strides = array<i32>} : memref<512x64xf32, #tpu.memory_space<vmem>>, vector<1x16xf32>,
        %get3A_376 = vector.shape_cast %get3A_375 : vector<1x16xf32> to vector<16xf32>
        %add3A_377 = arith.addf %scan3A_306, %get3A_376 : vector<16xf32>
        %mul3A_378 = arith.constant 4 : i32
        %mul3A_379 = arith.muli %scan3A_299, %mul3A_378 : i32
        %add3A_380 = arith.constant 1 : i32
        %add3A_381 = arith.addi %mul3A_379, %add3A_380 : i32
        %get3A_382 = arith.index_cast %add3A_381 : i32 to index
        %get3A_383 = arith.constant 48 : index
        %get3A_384 = tpu.vector_load %arg9[%get3A_382, %get3A_383] {strides = array<i32>} : memref<512x64xf32, #tpu.memory_space<vmem>>, vector<1x16xf32>,
        %get3A_385 = vector.shape_cast %get3A_384 : vector<1x16xf32> to vector<16xf32>
        %add3A_386 = arith.addf %scan3A_307, %get3A_385 : vector<16xf32>
        %mul3A_387 = arith.constant 4 : i32
        %mul3A_388 = arith.muli %scan3A_299, %mul3A_387 : i32
        %add3A_389 = arith.constant 2 : i32
        %add3A_390 = arith.addi %mul3A_388, %add3A_389 : i32
        %get3A_391 = arith.index_cast %add3A_390 : i32 to index
        %get3A_392 = arith.constant 0 : index
        %get3A_393 = tpu.vector_load %arg9[%get3A_391, %get3A_392] {strides = array<i32>} : memref<512x64xf32, #tpu.memory_space<vmem>>, vector<1x16xf32>,
        %get3A_394 = vector.shape_cast %get3A_393 : vector<1x16xf32> to vector<16xf32>
        %add3A_395 = arith.addf %scan3A_308, %get3A_394 : vector<16xf32>
        %mul3A_396 = arith.constant 4 : i32
        %mul3A_397 = arith.muli %scan3A_299, %mul3A_396 : i32
        %add3A_398 = arith.constant 2 : i32
        %add3A_399 = arith.addi %mul3A_397, %add3A_398 : i32
        %get3A_400 = arith.index_cast %add3A_399 : i32 to index
        %get3A_401 = arith.constant 16 : index
        %get3A_402 = tpu.vector_load %arg9[%get3A_400, %get3A_401] {strides = array<i32>} : memref<512x64xf32, #tpu.memory_space<vmem>>, vector<1x16xf32>,
        %get3A_403 = vector.shape_cast %get3A_402 : vector<1x16xf32> to vector<16xf32>
        %add3A_404 = arith.addf %scan3A_309, %get3A_403 : vector<16xf32>
        %mul3A_405 = arith.constant 4 : i32
        %mul3A_406 = arith.muli %scan3A_299, %mul3A_405 : i32
        %add3A_407 = arith.constant 2 : i32
        %add3A_408 = arith.addi %mul3A_406, %add3A_407 : i32
        %get3A_409 = arith.index_cast %add3A_408 : i32 to index
        %get3A_410 = arith.constant 32 : index
        %get3A_411 = tpu.vector_load %arg9[%get3A_409, %get3A_410] {strides = array<i32>} : memref<512x64xf32, #tpu.memory_space<vmem>>, vector<1x16xf32>,
        %get3A_412 = vector.shape_cast %get3A_411 : vector<1x16xf32> to vector<16xf32>
        %add3A_413 = arith.addf %scan3A_310, %get3A_412 : vector<16xf32>
        %mul3A_414 = arith.constant 4 : i32
        %mul3A_415 = arith.muli %scan3A_299, %mul3A_414 : i32
        %add3A_416 = arith.constant 2 : i32
        %add3A_417 = arith.addi %mul3A_415, %add3A_416 : i32
        %get3A_418 = arith.index_cast %add3A_417 : i32 to index
        %get3A_419 = arith.constant 48 : index
        %get3A_420 = tpu.vector_load %arg9[%get3A_418, %get3A_419] {strides = array<i32>} : memref<512x64xf32, #tpu.memory_space<vmem>>, vector<1x16xf32>,
        %get3A_421 = vector.shape_cast %get3A_420 : vector<1x16xf32> to vector<16xf32>
        %add3A_422 = arith.addf %scan3A_311, %get3A_421 : vector<16xf32>
        %mul3A_423 = arith.constant 4 : i32
        %mul3A_424 = arith.muli %scan3A_299, %mul3A_423 : i32
        %add3A_425 = arith.constant 3 : i32
        %add3A_426 = arith.addi %mul3A_424, %add3A_425 : i32
        %get3A_427 = arith.index_cast %add3A_426 : i32 to index
        %get3A_428 = arith.constant 0 : index
        %get3A_429 = tpu.vector_load %arg9[%get3A_427, %get3A_428] {strides = array<i32>} : memref<512x64xf32, #tpu.memory_space<vmem>>, vector<1x16xf32>,
        %get3A_430 = vector.shape_cast %get3A_429 : vector<1x16xf32> to vector<16xf32>
        %add3A_431 = arith.addf %scan3A_312, %get3A_430 : vector<16xf32>
        %mul3A_432 = arith.constant 4 : i32
        %mul3A_433 = arith.muli %scan3A_299, %mul3A_432 : i32
        %add3A_434 = arith.constant 3 : i32
        %add3A_435 = arith.addi %mul3A_433, %add3A_434 : i32
        %get3A_436 = arith.index_cast %add3A_435 : i32 to index
        %get3A_437 = arith.constant 16 : index
        %get3A_438 = tpu.vector_load %arg9[%get3A_436, %get3A_437] {strides = array<i32>} : memref<512x64xf32, #tpu.memory_space<vmem>>, vector<1x16xf32>,
        %get3A_439 = vector.shape_cast %get3A_438 : vector<1x16xf32> to vector<16xf32>
        %add3A_440 = arith.addf %scan3A_313, %get3A_439 : vector<16xf32>
        %mul3A_441 = arith.constant 4 : i32
        %mul3A_442 = arith.muli %scan3A_299, %mul3A_441 : i32
        %add3A_443 = arith.constant 3 : i32
        %add3A_444 = arith.addi %mul3A_442, %add3A_443 : i32
        %get3A_445 = arith.index_cast %add3A_444 : i32 to index
        %get3A_446 = arith.constant 32 : index
        %get3A_447 = tpu.vector_load %arg9[%get3A_445, %get3A_446] {strides = array<i32>} : memref<512x64xf32, #tpu.memory_space<vmem>>, vector<1x16xf32>,
        %get3A_448 = vector.shape_cast %get3A_447 : vector<1x16xf32> to vector<16xf32>
        %add3A_449 = arith.addf %scan3A_314, %get3A_448 : vector<16xf32>
        %mul3A_450 = arith.constant 4 : i32
        %mul3A_451 = arith.muli %scan3A_299, %mul3A_450 : i32
        %add3A_452 = arith.constant 3 : i32
        %add3A_453 = arith.addi %mul3A_451, %add3A_452 : i32
        %get3A_454 = arith.index_cast %add3A_453 : i32 to index
        %get3A_455 = arith.constant 48 : index
        %get3A_456 = tpu.vector_load %arg9[%get3A_454, %get3A_455] {strides = array<i32>} : memref<512x64xf32, #tpu.memory_space<vmem>>, vector<1x16xf32>,
        %get3A_457 = vector.shape_cast %get3A_456 : vector<1x16xf32> to vector<16xf32>
        %add3A_458 = arith.addf %scan3A_315, %get3A_457 : vector<16xf32>
        scf.yield %add3A_323, %add3A_332, %add3A_341, %add3A_350, %add3A_359, %add3A_368, %add3A_377, %add3A_386, %add3A_395, %add3A_404, %add3A_413, %add3A_422, %add3A_431, %add3A_440, %add3A_449, %add3A_458 : vector<16xf32>, vector<16xf32>, vector<16xf32>, vector<16xf32>, vector<16xf32>, vector<16xf32>, vector<16xf32>, vector<16xf32>, vector<16xf32>, vector<16xf32>, vector<16xf32>, vector<16xf32>, vector<16xf32>, vector<16xf32>, vector<16xf32>, vector<16xf32>
      }
      %scan3A_230 = arith.constant 128 : i32
      %mul3A_231 = arith.constant 2 : i32
      %mul3A_232 = arith.muli %mul3A_231, %scan3A_146 : i32
      %add3A_233 = arith.constant 2 : i32
      %add3A_234 = arith.addi %mul3A_232, %add3A_233 : i32
      %mul3A_235 = arith.constant 4 : i32
      %mul3A_236 = arith.muli %add3A_234, %mul3A_235 : i32
      %add3A_237 = arith.constant 0 : i32
      %add3A_238 = arith.addi %mul3A_236, %add3A_237 : i32
      %dma_start3A_239 = arith.constant 0 : i32
      %dma_start3A_240 = arith.constant 0 : i32
      %dma_start3A_241 = tpu.memref_slice %arg9[%dma_start3A_239, %dma_start3A_240] : memref<512x64xf32, #tpu.memory_space<vmem>> -> memref<128x64xf32, #tpu.memory_space<vmem>>
      %dma_start3A_242 = arith.constant 0 : i32
      %dma_start3A_243 = tpu.memref_slice %arg8[%add3A_238, %dma_start3A_242] : memref<196x128xi32, #tpu.memory_space<vmem>> -> memref<1x128xi32, #tpu.memory_space<vmem>>
      %dma_start3A_244 = tpu.memref_squeeze %dma_start3A_243 : memref<1x128xi32, #tpu.memory_space<vmem>> -> memref<128xi32, #tpu.memory_space<vmem>>
      %dma_start3A_245 = arith.constant 0 : i32
      %dma_start3A_246 = arith.constant 0 : i32
      %dma_start3A_247 = tpu.memref_slice %arg4[%dma_start3A_245, %dma_start3A_246] : memref<1000000x64xf32, #tpu.memory_space<hbm>> -> memref<1000000x64xf32, #tpu.memory_space<hbm>>
      tpu.enqueue_indirect_dma source(%dma_start3A_247 : memref<1000000x64xf32, #tpu.memory_space<hbm>>) target(%dma_start3A_241 : memref<128x64xf32, #tpu.memory_space<vmem>>) offsets(%dma_start3A_244 : memref<128xi32, #tpu.memory_space<vmem>>) semaphore(%arg12 : memref<!tpu.dma_semaphore, #tpu.memory_space<semaphore_mem>>)
      %mul3A_248 = arith.constant 4 : i32
      %mul3A_249 = arith.muli %add3A_234, %mul3A_248 : i32
      %add3A_250 = arith.constant 1 : i32
      %add3A_251 = arith.addi %mul3A_249, %add3A_250 : i32
      %dma_start3A_252 = arith.constant 128 : i32
      %dma_start3A_253 = arith.constant 0 : i32
      %dma_start3A_254 = tpu.memref_slice %arg9[%dma_start3A_252, %dma_start3A_253] : memref<512x64xf32, #tpu.memory_space<vmem>> -> memref<128x64xf32, #tpu.memory_space<vmem>>
      %dma_start3A_255 = arith.constant 0 : i32
      %dma_start3A_256 = tpu.memref_slice %arg8[%add3A_251, %dma_start3A_255] : memref<196x128xi32, #tpu.memory_space<vmem>> -> memref<1x128xi32, #tpu.memory_space<vmem>>
      %dma_start3A_257 = tpu.memref_squeeze %dma_start3A_256 : memref<1x128xi32, #tpu.memory_space<vmem>> -> memref<128xi32, #tpu.memory_space<vmem>>
      %dma_start3A_258 = arith.constant 0 : i32
      %dma_start3A_259 = arith.constant 0 : i32
      %dma_start3A_260 = tpu.memref_slice %arg4[%dma_start3A_258, %dma_start3A_259] : memref<1000000x64xf32, #tpu.memory_space<hbm>> -> memref<1000000x64xf32, #tpu.memory_space<hbm>>
      tpu.enqueue_indirect_dma source(%dma_start3A_260 : memref<1000000x64xf32, #tpu.memory_space<hbm>>) target(%dma_start3A_254 : memref<128x64xf32, #tpu.memory_space<vmem>>) offsets(%dma_start3A_257 : memref<128xi32, #tpu.memory_space<vmem>>) semaphore(%arg12 : memref<!tpu.dma_semaphore, #tpu.memory_space<semaphore_mem>>)
      %mul3A_261 = arith.constant 4 : i32
      %mul3A_262 = arith.muli %add3A_234, %mul3A_261 : i32
      %add3A_263 = arith.constant 2 : i32
      %add3A_264 = arith.addi %mul3A_262, %add3A_263 : i32
      %dma_start3A_265 = arith.constant 256 : i32
      %dma_start3A_266 = arith.constant 0 : i32
      %dma_start3A_267 = tpu.memref_slice %arg9[%dma_start3A_265, %dma_start3A_266] : memref<512x64xf32, #tpu.memory_space<vmem>> -> memref<128x64xf32, #tpu.memory_space<vmem>>
      %dma_start3A_268 = arith.constant 0 : i32
      %dma_start3A_269 = tpu.memref_slice %arg8[%add3A_264, %dma_start3A_268] : memref<196x128xi32, #tpu.memory_space<vmem>> -> memref<1x128xi32, #tpu.memory_space<vmem>>
      %dma_start3A_270 = tpu.memref_squeeze %dma_start3A_269 : memref<1x128xi32, #tpu.memory_space<vmem>> -> memref<128xi32, #tpu.memory_space<vmem>>
      %dma_start3A_271 = arith.constant 0 : i32
      %dma_start3A_272 = arith.constant 0 : i32
      %dma_start3A_273 = tpu.memref_slice %arg4[%dma_start3A_271, %dma_start3A_272] : memref<1000000x64xf32, #tpu.memory_space<hbm>> -> memref<1000000x64xf32, #tpu.memory_space<hbm>>
      tpu.enqueue_indirect_dma source(%dma_start3A_273 : memref<1000000x64xf32, #tpu.memory_space<hbm>>) target(%dma_start3A_267 : memref<128x64xf32, #tpu.memory_space<vmem>>) offsets(%dma_start3A_270 : memref<128xi32, #tpu.memory_space<vmem>>) semaphore(%arg12 : memref<!tpu.dma_semaphore, #tpu.memory_space<semaphore_mem>>)
      %mul3A_274 = arith.constant 4 : i32
      %mul3A_275 = arith.muli %add3A_234, %mul3A_274 : i32
      %add3A_276 = arith.constant 3 : i32
      %add3A_277 = arith.addi %mul3A_275, %add3A_276 : i32
      %dma_start3A_278 = arith.constant 384 : i32
      %dma_start3A_279 = arith.constant 0 : i32
      %dma_start3A_280 = tpu.memref_slice %arg9[%dma_start3A_278, %dma_start3A_279] : memref<512x64xf32, #tpu.memory_space<vmem>> -> memref<128x64xf32, #tpu.memory_space<vmem>>
      %dma_start3A_281 = arith.constant 0 : i32
      %dma_start3A_282 = tpu.memref_slice %arg8[%add3A_277, %dma_start3A_281] : memref<196x128xi32, #tpu.memory_space<vmem>> -> memref<1x128xi32, #tpu.memory_space<vmem>>
      %dma_start3A_283 = tpu.memref_squeeze %dma_start3A_282 : memref<1x128xi32, #tpu.memory_space<vmem>> -> memref<128xi32, #tpu.memory_space<vmem>>
      %dma_start3A_284 = arith.constant 0 : i32
      %dma_start3A_285 = arith.constant 0 : i32
      %dma_start3A_286 = tpu.memref_slice %arg4[%dma_start3A_284, %dma_start3A_285] : memref<1000000x64xf32, #tpu.memory_space<hbm>> -> memref<1000000x64xf32, #tpu.memory_space<hbm>>
      tpu.enqueue_indirect_dma source(%dma_start3A_286 : memref<1000000x64xf32, #tpu.memory_space<hbm>>) target(%dma_start3A_280 : memref<128x64xf32, #tpu.memory_space<vmem>>) offsets(%dma_start3A_283 : memref<128xi32, #tpu.memory_space<vmem>>) semaphore(%arg12 : memref<!tpu.dma_semaphore, #tpu.memory_space<semaphore_mem>>)
      %dma_wait3A_287 = arith.constant 0 : i32
      %dma_wait3A_288 = arith.constant 0 : i32
      %dma_wait3A_289 = tpu.memref_slice %arg4[%dma_wait3A_287, %dma_wait3A_288] : memref<1000000x64xf32, #tpu.memory_space<hbm>> -> memref<512x64xf32, #tpu.memory_space<hbm>>
      %dma_wait3A_290 = arith.constant 0 : i32
      %dma_wait3A_291 = arith.constant 0 : i32
      %dma_wait3A_292 = tpu.memref_slice %arg4[%dma_wait3A_290, %dma_wait3A_291] : memref<1000000x64xf32, #tpu.memory_space<hbm>> -> memref<512x64xf32, #tpu.memory_space<hbm>>
      tpu.wait_dma2 semaphore(%arg13 : memref<!tpu.dma_semaphore, #tpu.memory_space<semaphore_mem>>) src(%dma_wait3A_292 : memref<512x64xf32, #tpu.memory_space<hbm>>) dst(%arg10 : memref<512x64xf32, #tpu.memory_space<vmem>>)
      %scan3A_293 = arith.constant 0 : i32
      %scan3A_294 = arith.constant 128 : i32
      %scan3A_295 = arith.addi %scan3A_293, %scan3A_294 : i32
      %scan3A_296 = arith.constant 1 : i32
      %scan3A_297:16 = scf.for %scan3A_299 = %scan3A_293 to %scan3A_295 step %scan3A_296 iter_args(%scan3A_300 = %scan3A_229#0, %scan3A_301 = %scan3A_229#1, %scan3A_302 = %scan3A_229#2, %scan3A_303 = %scan3A_229#3, %scan3A_304 = %scan3A_229#4, %scan3A_305 = %scan3A_229#5, %scan3A_306 = %scan3A_229#6, %scan3A_307 = %scan3A_229#7, %scan3A_308 = %scan3A_229#8, %scan3A_309 = %scan3A_229#9, %scan3A_310 = %scan3A_229#10, %scan3A_311 = %scan3A_229#11, %scan3A_312 = %scan3A_229#12, %scan3A_313 = %scan3A_229#13, %scan3A_314 = %scan3A_229#14, %scan3A_315 = %scan3A_229#15) -> (vector<16xf32>, vector<16xf32>, vector<16xf32>, vector<16xf32>, vector<16xf32>, vector<16xf32>, vector<16xf32>, vector<16xf32>, vector<16xf32>, vector<16xf32>, vector<16xf32>, vector<16xf32>, vector<16xf32>, vector<16xf32>, vector<16xf32>, vector<16xf32>)  : i32 {
        %mul3A_316 = arith.constant 4 : i32
        %mul3A_317 = arith.muli %scan3A_299, %mul3A_316 : i32
        %add3A_318 = arith.constant 0 : i32
        %add3A_319 = arith.addi %mul3A_317, %add3A_318 : i32
        %get3A = arith.index_cast %add3A_319 : i32 to index
        %get3A_320 = arith.constant 0 : index
        %get3A_321 = tpu.vector_load %arg10[%get3A, %get3A_320] {strides = array<i32>} : memref<512x64xf32, #tpu.memory_space<vmem>>, vector<1x16xf32>,
        %get3A_322 = vector.shape_cast %get3A_321 : vector<1x16xf32> to vector<16xf32>
        %add3A_323 = arith.addf %scan3A_300, %get3A_322 : vector<16xf32>
        %mul3A_324 = arith.constant 4 : i32
        %mul3A_325 = arith.muli %scan3A_299, %mul3A_324 : i32
        %add3A_326 = arith.constant 0 : i32
        %add3A_327 = arith.addi %mul3A_325, %add3A_326 : i32
        %get3A_328 = arith.index_cast %add3A_327 : i32 to index
        %get3A_329 = arith.constant 16 : index
        %get3A_330 = tpu.vector_load %arg10[%get3A_328, %get3A_329] {strides = array<i32>} : memref<512x64xf32, #tpu.memory_space<vmem>>, vector<1x16xf32>,
        %get3A_331 = vector.shape_cast %get3A_330 : vector<1x16xf32> to vector<16xf32>
        %add3A_332 = arith.addf %scan3A_301, %get3A_331 : vector<16xf32>
        %mul3A_333 = arith.constant 4 : i32
        %mul3A_334 = arith.muli %scan3A_299, %mul3A_333 : i32
        %add3A_335 = arith.constant 0 : i32
        %add3A_336 = arith.addi %mul3A_334, %add3A_335 : i32
        %get3A_337 = arith.index_cast %add3A_336 : i32 to index
        %get3A_338 = arith.constant 32 : index
        %get3A_339 = tpu.vector_load %arg10[%get3A_337, %get3A_338] {strides = array<i32>} : memref<512x64xf32, #tpu.memory_space<vmem>>, vector<1x16xf32>,
        %get3A_340 = vector.shape_cast %get3A_339 : vector<1x16xf32> to vector<16xf32>
        %add3A_341 = arith.addf %scan3A_302, %get3A_340 : vector<16xf32>
        %mul3A_342 = arith.constant 4 : i32
        %mul3A_343 = arith.muli %scan3A_299, %mul3A_342 : i32
        %add3A_344 = arith.constant 0 : i32
        %add3A_345 = arith.addi %mul3A_343, %add3A_344 : i32
        %get3A_346 = arith.index_cast %add3A_345 : i32 to index
        %get3A_347 = arith.constant 48 : index
        %get3A_348 = tpu.vector_load %arg10[%get3A_346, %get3A_347] {strides = array<i32>} : memref<512x64xf32, #tpu.memory_space<vmem>>, vector<1x16xf32>,
        %get3A_349 = vector.shape_cast %get3A_348 : vector<1x16xf32> to vector<16xf32>
        %add3A_350 = arith.addf %scan3A_303, %get3A_349 : vector<16xf32>
        %mul3A_351 = arith.constant 4 : i32
        %mul3A_352 = arith.muli %scan3A_299, %mul3A_351 : i32
        %add3A_353 = arith.constant 1 : i32
        %add3A_354 = arith.addi %mul3A_352, %add3A_353 : i32
        %get3A_355 = arith.index_cast %add3A_354 : i32 to index
        %get3A_356 = arith.constant 0 : index
        %get3A_357 = tpu.vector_load %arg10[%get3A_355, %get3A_356] {strides = array<i32>} : memref<512x64xf32, #tpu.memory_space<vmem>>, vector<1x16xf32>,
        %get3A_358 = vector.shape_cast %get3A_357 : vector<1x16xf32> to vector<16xf32>
        %add3A_359 = arith.addf %scan3A_304, %get3A_358 : vector<16xf32>
        %mul3A_360 = arith.constant 4 : i32
        %mul3A_361 = arith.muli %scan3A_299, %mul3A_360 : i32
        %add3A_362 = arith.constant 1 : i32
        %add3A_363 = arith.addi %mul3A_361, %add3A_362 : i32
        %get3A_364 = arith.index_cast %add3A_363 : i32 to index
        %get3A_365 = arith.constant 16 : index
        %get3A_366 = tpu.vector_load %arg10[%get3A_364, %get3A_365] {strides = array<i32>} : memref<512x64xf32, #tpu.memory_space<vmem>>, vector<1x16xf32>,
        %get3A_367 = vector.shape_cast %get3A_366 : vector<1x16xf32> to vector<16xf32>
        %add3A_368 = arith.addf %scan3A_305, %get3A_367 : vector<16xf32>
        %mul3A_369 = arith.constant 4 : i32
        %mul3A_370 = arith.muli %scan3A_299, %mul3A_369 : i32
        %add3A_371 = arith.constant 1 : i32
        %add3A_372 = arith.addi %mul3A_370, %add3A_371 : i32
        %get3A_373 = arith.index_cast %add3A_372 : i32 to index
        %get3A_374 = arith.constant 32 : index
        %get3A_375 = tpu.vector_load %arg10[%get3A_373, %get3A_374] {strides = array<i32>} : memref<512x64xf32, #tpu.memory_space<vmem>>, vector<1x16xf32>,
        %get3A_376 = vector.shape_cast %get3A_375 : vector<1x16xf32> to vector<16xf32>
        %add3A_377 = arith.addf %scan3A_306, %get3A_376 : vector<16xf32>
        %mul3A_378 = arith.constant 4 : i32
        %mul3A_379 = arith.muli %scan3A_299, %mul3A_378 : i32
        %add3A_380 = arith.constant 1 : i32
        %add3A_381 = arith.addi %mul3A_379, %add3A_380 : i32
        %get3A_382 = arith.index_cast %add3A_381 : i32 to index
        %get3A_383 = arith.constant 48 : index
        %get3A_384 = tpu.vector_load %arg10[%get3A_382, %get3A_383] {strides = array<i32>} : memref<512x64xf32, #tpu.memory_space<vmem>>, vector<1x16xf32>,
        %get3A_385 = vector.shape_cast %get3A_384 : vector<1x16xf32> to vector<16xf32>
        %add3A_386 = arith.addf %scan3A_307, %get3A_385 : vector<16xf32>
        %mul3A_387 = arith.constant 4 : i32
        %mul3A_388 = arith.muli %scan3A_299, %mul3A_387 : i32
        %add3A_389 = arith.constant 2 : i32
        %add3A_390 = arith.addi %mul3A_388, %add3A_389 : i32
        %get3A_391 = arith.index_cast %add3A_390 : i32 to index
        %get3A_392 = arith.constant 0 : index
        %get3A_393 = tpu.vector_load %arg10[%get3A_391, %get3A_392] {strides = array<i32>} : memref<512x64xf32, #tpu.memory_space<vmem>>, vector<1x16xf32>,
        %get3A_394 = vector.shape_cast %get3A_393 : vector<1x16xf32> to vector<16xf32>
        %add3A_395 = arith.addf %scan3A_308, %get3A_394 : vector<16xf32>
        %mul3A_396 = arith.constant 4 : i32
        %mul3A_397 = arith.muli %scan3A_299, %mul3A_396 : i32
        %add3A_398 = arith.constant 2 : i32
        %add3A_399 = arith.addi %mul3A_397, %add3A_398 : i32
        %get3A_400 = arith.index_cast %add3A_399 : i32 to index
        %get3A_401 = arith.constant 16 : index
        %get3A_402 = tpu.vector_load %arg10[%get3A_400, %get3A_401] {strides = array<i32>} : memref<512x64xf32, #tpu.memory_space<vmem>>, vector<1x16xf32>,
        %get3A_403 = vector.shape_cast %get3A_402 : vector<1x16xf32> to vector<16xf32>
        %add3A_404 = arith.addf %scan3A_309, %get3A_403 : vector<16xf32>
        %mul3A_405 = arith.constant 4 : i32
        %mul3A_406 = arith.muli %scan3A_299, %mul3A_405 : i32
        %add3A_407 = arith.constant 2 : i32
        %add3A_408 = arith.addi %mul3A_406, %add3A_407 : i32
        %get3A_409 = arith.index_cast %add3A_408 : i32 to index
        %get3A_410 = arith.constant 32 : index
        %get3A_411 = tpu.vector_load %arg10[%get3A_409, %get3A_410] {strides = array<i32>} : memref<512x64xf32, #tpu.memory_space<vmem>>, vector<1x16xf32>,
        %get3A_412 = vector.shape_cast %get3A_411 : vector<1x16xf32> to vector<16xf32>
        %add3A_413 = arith.addf %scan3A_310, %get3A_412 : vector<16xf32>
        %mul3A_414 = arith.constant 4 : i32
        %mul3A_415 = arith.muli %scan3A_299, %mul3A_414 : i32
        %add3A_416 = arith.constant 2 : i32
        %add3A_417 = arith.addi %mul3A_415, %add3A_416 : i32
        %get3A_418 = arith.index_cast %add3A_417 : i32 to index
        %get3A_419 = arith.constant 48 : index
        %get3A_420 = tpu.vector_load %arg10[%get3A_418, %get3A_419] {strides = array<i32>} : memref<512x64xf32, #tpu.memory_space<vmem>>, vector<1x16xf32>,
        %get3A_421 = vector.shape_cast %get3A_420 : vector<1x16xf32> to vector<16xf32>
        %add3A_422 = arith.addf %scan3A_311, %get3A_421 : vector<16xf32>
        %mul3A_423 = arith.constant 4 : i32
        %mul3A_424 = arith.muli %scan3A_299, %mul3A_423 : i32
        %add3A_425 = arith.constant 3 : i32
        %add3A_426 = arith.addi %mul3A_424, %add3A_425 : i32
        %get3A_427 = arith.index_cast %add3A_426 : i32 to index
        %get3A_428 = arith.constant 0 : index
        %get3A_429 = tpu.vector_load %arg10[%get3A_427, %get3A_428] {strides = array<i32>} : memref<512x64xf32, #tpu.memory_space<vmem>>, vector<1x16xf32>,
        %get3A_430 = vector.shape_cast %get3A_429 : vector<1x16xf32> to vector<16xf32>
        %add3A_431 = arith.addf %scan3A_312, %get3A_430 : vector<16xf32>
        %mul3A_432 = arith.constant 4 : i32
        %mul3A_433 = arith.muli %scan3A_299, %mul3A_432 : i32
        %add3A_434 = arith.constant 3 : i32
        %add3A_435 = arith.addi %mul3A_433, %add3A_434 : i32
        %get3A_436 = arith.index_cast %add3A_435 : i32 to index
        %get3A_437 = arith.constant 16 : index
        %get3A_438 = tpu.vector_load %arg10[%get3A_436, %get3A_437] {strides = array<i32>} : memref<512x64xf32, #tpu.memory_space<vmem>>, vector<1x16xf32>,
        %get3A_439 = vector.shape_cast %get3A_438 : vector<1x16xf32> to vector<16xf32>
        %add3A_440 = arith.addf %scan3A_313, %get3A_439 : vector<16xf32>
        %mul3A_441 = arith.constant 4 : i32
        %mul3A_442 = arith.muli %scan3A_299, %mul3A_441 : i32
        %add3A_443 = arith.constant 3 : i32
        %add3A_444 = arith.addi %mul3A_442, %add3A_443 : i32
        %get3A_445 = arith.index_cast %add3A_444 : i32 to index
        %get3A_446 = arith.constant 32 : index
        %get3A_447 = tpu.vector_load %arg10[%get3A_445, %get3A_446] {strides = array<i32>} : memref<512x64xf32, #tpu.memory_space<vmem>>, vector<1x16xf32>,
        %get3A_448 = vector.shape_cast %get3A_447 : vector<1x16xf32> to vector<16xf32>
        %add3A_449 = arith.addf %scan3A_314, %get3A_448 : vector<16xf32>
        %mul3A_450 = arith.constant 4 : i32
        %mul3A_451 = arith.muli %scan3A_299, %mul3A_450 : i32
        %add3A_452 = arith.constant 3 : i32
        %add3A_453 = arith.addi %mul3A_451, %add3A_452 : i32
        %get3A_454 = arith.index_cast %add3A_453 : i32 to index
        %get3A_455 = arith.constant 48 : index
        %get3A_456 = tpu.vector_load %arg10[%get3A_454, %get3A_455] {strides = array<i32>} : memref<512x64xf32, #tpu.memory_space<vmem>>, vector<1x16xf32>,
        %get3A_457 = vector.shape_cast %get3A_456 : vector<1x16xf32> to vector<16xf32>
        %add3A_458 = arith.addf %scan3A_315, %get3A_457 : vector<16xf32>
        scf.yield %add3A_323, %add3A_332, %add3A_341, %add3A_350, %add3A_359, %add3A_368, %add3A_377, %add3A_386, %add3A_395, %add3A_404, %add3A_413, %add3A_422, %add3A_431, %add3A_440, %add3A_449, %add3A_458 : vector<16xf32>, vector<16xf32>, vector<16xf32>, vector<16xf32>, vector<16xf32>, vector<16xf32>, vector<16xf32>, vector<16xf32>, vector<16xf32>, vector<16xf32>, vector<16xf32>, vector<16xf32>, vector<16xf32>, vector<16xf32>, vector<16xf32>, vector<16xf32>
      }
      %scan3A_298 = arith.constant 128 : i32
      scf.yield %scan3A_297#0, %scan3A_297#1, %scan3A_297#2, %scan3A_297#3, %scan3A_297#4, %scan3A_297#5, %scan3A_297#6, %scan3A_297#7, %scan3A_297#8, %scan3A_297#9, %scan3A_297#10, %scan3A_297#11, %scan3A_297#12, %scan3A_297#13, %scan3A_297#14, %scan3A_297#15 : vector<16xf32>, vector<16xf32>, vector<16xf32>, vector<16xf32>, vector<16xf32>, vector<16xf32>, vector<16xf32>, vector<16xf32>, vector<16xf32>, vector<16xf32>, vector<16xf32>, vector<16xf32>, vector<16xf32>, vector<16xf32>, vector<16xf32>, vector<16xf32>
    }
    %scan3A_98 = arith.constant 24 : i32
    %dma_wait3A_99 = arith.constant 0 : i32
    %dma_wait3A_100 = arith.constant 0 : i32
    %dma_wait3A_101 = tpu.memref_slice %arg4[%dma_wait3A_99, %dma_wait3A_100] : memref<1000000x64xf32, #tpu.memory_space<hbm>> -> memref<512x64xf32, #tpu.memory_space<hbm>>
    %dma_wait3A_102 = arith.constant 0 : i32
    %dma_wait3A_103 = arith.constant 0 : i32
    %dma_wait3A_104 = tpu.memref_slice %arg4[%dma_wait3A_102, %dma_wait3A_103] : memref<1000000x64xf32, #tpu.memory_space<hbm>> -> memref<512x64xf32, #tpu.memory_space<hbm>>
    tpu.wait_dma2 semaphore(%arg12 : memref<!tpu.dma_semaphore, #tpu.memory_space<semaphore_mem>>) src(%dma_wait3A_104 : memref<512x64xf32, #tpu.memory_space<hbm>>) dst(%arg9 : memref<512x64xf32, #tpu.memory_space<vmem>>)
    %scan3A_105 = arith.constant 0 : i32
    %scan3A_106 = arith.constant 128 : i32
    %scan3A_107 = arith.addi %scan3A_105, %scan3A_106 : i32
    %scan3A_108 = arith.constant 1 : i32
    %scan3A_109:16 = scf.for %scan3A_146 = %scan3A_105 to %scan3A_107 step %scan3A_108 iter_args(%scan3A_147 = %scan3A_97#0, %scan3A_148 = %scan3A_97#1, %scan3A_149 = %scan3A_97#2, %scan3A_150 = %scan3A_97#3, %scan3A_151 = %scan3A_97#4, %scan3A_152 = %scan3A_97#5, %scan3A_153 = %scan3A_97#6, %scan3A_154 = %scan3A_97#7, %scan3A_155 = %scan3A_97#8, %scan3A_156 = %scan3A_97#9, %scan3A_157 = %scan3A_97#10, %scan3A_158 = %scan3A_97#11, %scan3A_159 = %scan3A_97#12, %scan3A_160 = %scan3A_97#13, %scan3A_161 = %scan3A_97#14, %scan3A_162 = %scan3A_97#15) -> (vector<16xf32>, vector<16xf32>, vector<16xf32>, vector<16xf32>, vector<16xf32>, vector<16xf32>, vector<16xf32>, vector<16xf32>, vector<16xf32>, vector<16xf32>, vector<16xf32>, vector<16xf32>, vector<16xf32>, vector<16xf32>, vector<16xf32>, vector<16xf32>)  : i32 {
      %mul3A_163 = arith.constant 4 : i32
      %mul3A_164 = arith.muli %scan3A_146, %mul3A_163 : i32
      %add3A_165 = arith.constant 0 : i32
      %add3A_166 = arith.addi %mul3A_164, %add3A_165 : i32
      %get3A = arith.index_cast %add3A_166 : i32 to index
      %get3A_167 = arith.constant 0 : index
      %get3A_168 = tpu.vector_load %arg9[%get3A, %get3A_167] {strides = array<i32>} : memref<512x64xf32, #tpu.memory_space<vmem>>, vector<1x16xf32>,
      %get3A_169 = vector.shape_cast %get3A_168 : vector<1x16xf32> to vector<16xf32>
      %add3A_170 = arith.addf %scan3A_147, %get3A_169 : vector<16xf32>
      %mul3A_171 = arith.constant 4 : i32
      %mul3A_172 = arith.muli %scan3A_146, %mul3A_171 : i32
      %add3A_173 = arith.constant 0 : i32
      %add3A_174 = arith.addi %mul3A_172, %add3A_173 : i32
      %get3A_175 = arith.index_cast %add3A_174 : i32 to index
      %get3A_176 = arith.constant 16 : index
      %get3A_177 = tpu.vector_load %arg9[%get3A_175, %get3A_176] {strides = array<i32>} : memref<512x64xf32, #tpu.memory_space<vmem>>, vector<1x16xf32>,
      %get3A_178 = vector.shape_cast %get3A_177 : vector<1x16xf32> to vector<16xf32>
      %add3A_179 = arith.addf %scan3A_148, %get3A_178 : vector<16xf32>
      %mul3A_180 = arith.constant 4 : i32
      %mul3A_181 = arith.muli %scan3A_146, %mul3A_180 : i32
      %add3A_182 = arith.constant 0 : i32
      %add3A_183 = arith.addi %mul3A_181, %add3A_182 : i32
      %get3A_184 = arith.index_cast %add3A_183 : i32 to index
      %get3A_185 = arith.constant 32 : index
      %get3A_186 = tpu.vector_load %arg9[%get3A_184, %get3A_185] {strides = array<i32>} : memref<512x64xf32, #tpu.memory_space<vmem>>, vector<1x16xf32>,
      %get3A_187 = vector.shape_cast %get3A_186 : vector<1x16xf32> to vector<16xf32>
      %add3A_188 = arith.addf %scan3A_149, %get3A_187 : vector<16xf32>
      %mul3A_189 = arith.constant 4 : i32
      %mul3A_190 = arith.muli %scan3A_146, %mul3A_189 : i32
      %add3A_191 = arith.constant 0 : i32
      %add3A_192 = arith.addi %mul3A_190, %add3A_191 : i32
      %get3A_193 = arith.index_cast %add3A_192 : i32 to index
      %get3A_194 = arith.constant 48 : index
      %get3A_195 = tpu.vector_load %arg9[%get3A_193, %get3A_194] {strides = array<i32>} : memref<512x64xf32, #tpu.memory_space<vmem>>, vector<1x16xf32>,
      %get3A_196 = vector.shape_cast %get3A_195 : vector<1x16xf32> to vector<16xf32>
      %add3A_197 = arith.addf %scan3A_150, %get3A_196 : vector<16xf32>
      %mul3A_198 = arith.constant 4 : i32
      %mul3A_199 = arith.muli %scan3A_146, %mul3A_198 : i32
      %add3A_200 = arith.constant 1 : i32
      %add3A_201 = arith.addi %mul3A_199, %add3A_200 : i32
      %get3A_202 = arith.index_cast %add3A_201 : i32 to index
      %get3A_203 = arith.constant 0 : index
      %get3A_204 = tpu.vector_load %arg9[%get3A_202, %get3A_203] {strides = array<i32>} : memref<512x64xf32, #tpu.memory_space<vmem>>, vector<1x16xf32>,
      %get3A_205 = vector.shape_cast %get3A_204 : vector<1x16xf32> to vector<16xf32>
      %add3A_206 = arith.addf %scan3A_151, %get3A_205 : vector<16xf32>
      %mul3A_207 = arith.constant 4 : i32
      %mul3A_208 = arith.muli %scan3A_146, %mul3A_207 : i32
      %add3A_209 = arith.constant 1 : i32
      %add3A_210 = arith.addi %mul3A_208, %add3A_209 : i32
      %get3A_211 = arith.index_cast %add3A_210 : i32 to index
      %get3A_212 = arith.constant 16 : index
      %get3A_213 = tpu.vector_load %arg9[%get3A_211, %get3A_212] {strides = array<i32>} : memref<512x64xf32, #tpu.memory_space<vmem>>, vector<1x16xf32>,
      %get3A_214 = vector.shape_cast %get3A_213 : vector<1x16xf32> to vector<16xf32>
      %add3A_215 = arith.addf %scan3A_152, %get3A_214 : vector<16xf32>
      %mul3A_216 = arith.constant 4 : i32
      %mul3A_217 = arith.muli %scan3A_146, %mul3A_216 : i32
      %add3A_218 = arith.constant 1 : i32
      %add3A_219 = arith.addi %mul3A_217, %add3A_218 : i32
      %get3A_220 = arith.index_cast %add3A_219 : i32 to index
      %get3A_221 = arith.constant 32 : index
      %get3A_222 = tpu.vector_load %arg9[%get3A_220, %get3A_221] {strides = array<i32>} : memref<512x64xf32, #tpu.memory_space<vmem>>, vector<1x16xf32>,
      %get3A_223 = vector.shape_cast %get3A_222 : vector<1x16xf32> to vector<16xf32>
      %add3A_224 = arith.addf %scan3A_153, %get3A_223 : vector<16xf32>
      %mul3A_225 = arith.constant 4 : i32
      %mul3A_226 = arith.muli %scan3A_146, %mul3A_225 : i32
      %add3A_227 = arith.constant 1 : i32
      %add3A_228 = arith.addi %mul3A_226, %add3A_227 : i32
      %get3A_229 = arith.index_cast %add3A_228 : i32 to index
      %get3A_230 = arith.constant 48 : index
      %get3A_231 = tpu.vector_load %arg9[%get3A_229, %get3A_230] {strides = array<i32>} : memref<512x64xf32, #tpu.memory_space<vmem>>, vector<1x16xf32>,
      %get3A_232 = vector.shape_cast %get3A_231 : vector<1x16xf32> to vector<16xf32>
      %add3A_233 = arith.addf %scan3A_154, %get3A_232 : vector<16xf32>
      %mul3A_234 = arith.constant 4 : i32
      %mul3A_235 = arith.muli %scan3A_146, %mul3A_234 : i32
      %add3A_236 = arith.constant 2 : i32
      %add3A_237 = arith.addi %mul3A_235, %add3A_236 : i32
      %get3A_238 = arith.index_cast %add3A_237 : i32 to index
      %get3A_239 = arith.constant 0 : index
      %get3A_240 = tpu.vector_load %arg9[%get3A_238, %get3A_239] {strides = array<i32>} : memref<512x64xf32, #tpu.memory_space<vmem>>, vector<1x16xf32>,
      %get3A_241 = vector.shape_cast %get3A_240 : vector<1x16xf32> to vector<16xf32>
      %add3A_242 = arith.addf %scan3A_155, %get3A_241 : vector<16xf32>
      %mul3A_243 = arith.constant 4 : i32
      %mul3A_244 = arith.muli %scan3A_146, %mul3A_243 : i32
      %add3A_245 = arith.constant 2 : i32
      %add3A_246 = arith.addi %mul3A_244, %add3A_245 : i32
      %get3A_247 = arith.index_cast %add3A_246 : i32 to index
      %get3A_248 = arith.constant 16 : index
      %get3A_249 = tpu.vector_load %arg9[%get3A_247, %get3A_248] {strides = array<i32>} : memref<512x64xf32, #tpu.memory_space<vmem>>, vector<1x16xf32>,
      %get3A_250 = vector.shape_cast %get3A_249 : vector<1x16xf32> to vector<16xf32>
      %add3A_251 = arith.addf %scan3A_156, %get3A_250 : vector<16xf32>
      %mul3A_252 = arith.constant 4 : i32
      %mul3A_253 = arith.muli %scan3A_146, %mul3A_252 : i32
      %add3A_254 = arith.constant 2 : i32
      %add3A_255 = arith.addi %mul3A_253, %add3A_254 : i32
      %get3A_256 = arith.index_cast %add3A_255 : i32 to index
      %get3A_257 = arith.constant 32 : index
      %get3A_258 = tpu.vector_load %arg9[%get3A_256, %get3A_257] {strides = array<i32>} : memref<512x64xf32, #tpu.memory_space<vmem>>, vector<1x16xf32>,
      %get3A_259 = vector.shape_cast %get3A_258 : vector<1x16xf32> to vector<16xf32>
      %add3A_260 = arith.addf %scan3A_157, %get3A_259 : vector<16xf32>
      %mul3A_261 = arith.constant 4 : i32
      %mul3A_262 = arith.muli %scan3A_146, %mul3A_261 : i32
      %add3A_263 = arith.constant 2 : i32
      %add3A_264 = arith.addi %mul3A_262, %add3A_263 : i32
      %get3A_265 = arith.index_cast %add3A_264 : i32 to index
      %get3A_266 = arith.constant 48 : index
      %get3A_267 = tpu.vector_load %arg9[%get3A_265, %get3A_266] {strides = array<i32>} : memref<512x64xf32, #tpu.memory_space<vmem>>, vector<1x16xf32>,
      %get3A_268 = vector.shape_cast %get3A_267 : vector<1x16xf32> to vector<16xf32>
      %add3A_269 = arith.addf %scan3A_158, %get3A_268 : vector<16xf32>
      %mul3A_270 = arith.constant 4 : i32
      %mul3A_271 = arith.muli %scan3A_146, %mul3A_270 : i32
      %add3A_272 = arith.constant 3 : i32
      %add3A_273 = arith.addi %mul3A_271, %add3A_272 : i32
      %get3A_274 = arith.index_cast %add3A_273 : i32 to index
      %get3A_275 = arith.constant 0 : index
      %get3A_276 = tpu.vector_load %arg9[%get3A_274, %get3A_275] {strides = array<i32>} : memref<512x64xf32, #tpu.memory_space<vmem>>, vector<1x16xf32>,
      %get3A_277 = vector.shape_cast %get3A_276 : vector<1x16xf32> to vector<16xf32>
      %add3A_278 = arith.addf %scan3A_159, %get3A_277 : vector<16xf32>
      %mul3A_279 = arith.constant 4 : i32
      %mul3A_280 = arith.muli %scan3A_146, %mul3A_279 : i32
      %add3A_281 = arith.constant 3 : i32
      %add3A_282 = arith.addi %mul3A_280, %add3A_281 : i32
      %get3A_283 = arith.index_cast %add3A_282 : i32 to index
      %get3A_284 = arith.constant 16 : index
      %get3A_285 = tpu.vector_load %arg9[%get3A_283, %get3A_284] {strides = array<i32>} : memref<512x64xf32, #tpu.memory_space<vmem>>, vector<1x16xf32>,
      %get3A_286 = vector.shape_cast %get3A_285 : vector<1x16xf32> to vector<16xf32>
      %add3A_287 = arith.addf %scan3A_160, %get3A_286 : vector<16xf32>
      %mul3A_288 = arith.constant 4 : i32
      %mul3A_289 = arith.muli %scan3A_146, %mul3A_288 : i32
      %add3A_290 = arith.constant 3 : i32
      %add3A_291 = arith.addi %mul3A_289, %add3A_290 : i32
      %get3A_292 = arith.index_cast %add3A_291 : i32 to index
      %get3A_293 = arith.constant 32 : index
      %get3A_294 = tpu.vector_load %arg9[%get3A_292, %get3A_293] {strides = array<i32>} : memref<512x64xf32, #tpu.memory_space<vmem>>, vector<1x16xf32>,
      %get3A_295 = vector.shape_cast %get3A_294 : vector<1x16xf32> to vector<16xf32>
      %add3A_296 = arith.addf %scan3A_161, %get3A_295 : vector<16xf32>
      %mul3A_297 = arith.constant 4 : i32
      %mul3A_298 = arith.muli %scan3A_146, %mul3A_297 : i32
      %add3A_299 = arith.constant 3 : i32
      %add3A_300 = arith.addi %mul3A_298, %add3A_299 : i32
      %get3A_301 = arith.index_cast %add3A_300 : i32 to index
      %get3A_302 = arith.constant 48 : index
      %get3A_303 = tpu.vector_load %arg9[%get3A_301, %get3A_302] {strides = array<i32>} : memref<512x64xf32, #tpu.memory_space<vmem>>, vector<1x16xf32>,
      %get3A_304 = vector.shape_cast %get3A_303 : vector<1x16xf32> to vector<16xf32>
      %add3A_305 = arith.addf %scan3A_162, %get3A_304 : vector<16xf32>
      scf.yield %add3A_170, %add3A_179, %add3A_188, %add3A_197, %add3A_206, %add3A_215, %add3A_224, %add3A_233, %add3A_242, %add3A_251, %add3A_260, %add3A_269, %add3A_278, %add3A_287, %add3A_296, %add3A_305 : vector<16xf32>, vector<16xf32>, vector<16xf32>, vector<16xf32>, vector<16xf32>, vector<16xf32>, vector<16xf32>, vector<16xf32>, vector<16xf32>, vector<16xf32>, vector<16xf32>, vector<16xf32>, vector<16xf32>, vector<16xf32>, vector<16xf32>, vector<16xf32>
    }
    %scan3A_110 = arith.constant 128 : i32
    %add3A_111 = arith.addf %scan3A_109#0, %scan3A_109#4 : vector<16xf32>
    %add3A_112 = arith.addf %add3A_111, %scan3A_109#8 : vector<16xf32>
    %add3A_113 = arith.addf %add3A_112, %scan3A_109#12 : vector<16xf32>
    %swap3A = arith.constant 0 : i32
    %swap3A_114 = arith.index_cast %swap3A : i32 to index
    %swap3A_115 = arith.constant 0 : index
    %swap3A_116 = tpu.vector_load %arg11[%swap3A_114, %swap3A_115] {strides = array<i32>} : memref<1x64xf32, #tpu.memory_space<vmem>>, vector<1x16xf32>,
    %swap3A_117 = vector.shape_cast %swap3A_116 : vector<1x16xf32> to vector<16xf32>
    %swap3A_118 = vector.shape_cast %add3A_113 : vector<16xf32> to vector<1x16xf32>
    tpu.vector_store %arg11[%swap3A_114, %swap3A_115], %swap3A_118 {strides = array<i32>} : memref<1x64xf32, #tpu.memory_space<vmem>>, vector<1x16xf32>,
    %add3A_119 = arith.addf %scan3A_109#1, %scan3A_109#5 : vector<16xf32>
    %add3A_120 = arith.addf %add3A_119, %scan3A_109#9 : vector<16xf32>
    %add3A_121 = arith.addf %add3A_120, %scan3A_109#13 : vector<16xf32>
    %swap3A_122 = arith.constant 0 : i32
    %swap3A_123 = arith.index_cast %swap3A_122 : i32 to index
    %swap3A_124 = arith.constant 16 : index
    %swap3A_125 = tpu.vector_load %arg11[%swap3A_123, %swap3A_124] {strides = array<i32>} : memref<1x64xf32, #tpu.memory_space<vmem>>, vector<1x16xf32>,
    %swap3A_126 = vector.shape_cast %swap3A_125 : vector<1x16xf32> to vector<16xf32>
    %swap3A_127 = vector.shape_cast %add3A_121 : vector<16xf32> to vector<1x16xf32>
    tpu.vector_store %arg11[%swap3A_123, %swap3A_124], %swap3A_127 {strides = array<i32>} : memref<1x64xf32, #tpu.memory_space<vmem>>, vector<1x16xf32>,
    %add3A_128 = arith.addf %scan3A_109#2, %scan3A_109#6 : vector<16xf32>
    %add3A_129 = arith.addf %add3A_128, %scan3A_109#10 : vector<16xf32>
    %add3A_130 = arith.addf %add3A_129, %scan3A_109#14 : vector<16xf32>
    %swap3A_131 = arith.constant 0 : i32
    %swap3A_132 = arith.index_cast %swap3A_131 : i32 to index
    %swap3A_133 = arith.constant 32 : index
    %swap3A_134 = tpu.vector_load %arg11[%swap3A_132, %swap3A_133] {strides = array<i32>} : memref<1x64xf32, #tpu.memory_space<vmem>>, vector<1x16xf32>,
    %swap3A_135 = vector.shape_cast %swap3A_134 : vector<1x16xf32> to vector<16xf32>
    %swap3A_136 = vector.shape_cast %add3A_130 : vector<16xf32> to vector<1x16xf32>
    tpu.vector_store %arg11[%swap3A_132, %swap3A_133], %swap3A_136 {strides = array<i32>} : memref<1x64xf32, #tpu.memory_space<vmem>>, vector<1x16xf32>,
    %add3A_137 = arith.addf %scan3A_109#3, %scan3A_109#7 : vector<16xf32>
    %add3A_138 = arith.addf %add3A_137, %scan3A_109#11 : vector<16xf32>
    %add3A_139 = arith.addf %add3A_138, %scan3A_109#15 : vector<16xf32>
    %swap3A_140 = arith.constant 0 : i32
    %swap3A_141 = arith.index_cast %swap3A_140 : i32 to index
    %swap3A_142 = arith.constant 48 : index
    %swap3A_143 = tpu.vector_load %arg11[%swap3A_141, %swap3A_142] {strides = array<i32>} : memref<1x64xf32, #tpu.memory_space<vmem>>, vector<1x16xf32>,
    %swap3A_144 = vector.shape_cast %swap3A_143 : vector<1x16xf32> to vector<16xf32>
    %swap3A_145 = vector.shape_cast %add3A_139 : vector<16xf32> to vector<1x16xf32>
    tpu.vector_store %arg11[%swap3A_141, %swap3A_142], %swap3A_145 {strides = array<i32>} : memref<1x64xf32, #tpu.memory_space<vmem>>, vector<1x16xf32>,
    "tpu.region"() ({
      %run_scoped3A = tpu.sem_alloc : memref<!tpu.dma_semaphore, #tpu.memory_space<semaphore_mem>>
      %dma_start3A_146 = arith.constant 0 : i32
      %dma_start3A_147 = arith.constant 0 : i32
      %dma_start3A_148 = tpu.memref_slice %arg6[%add3A, %dma_start3A_146, %dma_start3A_147] : memref<32x1x64xf32, #tpu.memory_space<hbm>> -> memref<1x1x64xf32, #tpu.memory_space<hbm>>
      %dma_start3A_149 = tpu.memref_squeeze %dma_start3A_148 : memref<1x1x64xf32, #tpu.memory_space<hbm>> -> memref<1x64xf32, #tpu.memory_space<hbm>>
      %dma_start3A_150 = arith.constant 0 : i32
      %dma_start3A_151 = arith.constant 0 : i32
      %dma_start3A_152 = tpu.memref_slice %arg6[%add3A, %dma_start3A_150, %dma_start3A_151] : memref<32x1x64xf32, #tpu.memory_space<hbm>> -> memref<1x1x64xf32, #tpu.memory_space<hbm>>
      %dma_start3A_153 = tpu.memref_squeeze %dma_start3A_152 : memref<1x1x64xf32, #tpu.memory_space<hbm>> -> memref<1x64xf32, #tpu.memory_space<hbm>>
      tpu.enqueue_dma source(%arg11 : memref<1x64xf32, #tpu.memory_space<vmem>>) target(%dma_start3A_153 : memref<1x64xf32, #tpu.memory_space<hbm>>) target_semaphore(%run_scoped3A : memref<!tpu.dma_semaphore, #tpu.memory_space<semaphore_mem>>)
      %dma_wait3A_154 = arith.constant 0 : i32
      %dma_wait3A_155 = arith.constant 0 : i32
      %dma_wait3A_156 = tpu.memref_slice %arg6[%add3A, %dma_wait3A_154, %dma_wait3A_155] : memref<32x1x64xf32, #tpu.memory_space<hbm>> -> memref<1x1x64xf32, #tpu.memory_space<hbm>>
      %dma_wait3A_157 = tpu.memref_squeeze %dma_wait3A_156 : memref<1x1x64xf32, #tpu.memory_space<hbm>> -> memref<1x64xf32, #tpu.memory_space<hbm>>
      %dma_wait3A_158 = arith.constant 0 : i32
      %dma_wait3A_159 = arith.constant 0 : i32
      %dma_wait3A_160 = tpu.memref_slice %arg6[%add3A, %dma_wait3A_158, %dma_wait3A_159] : memref<32x1x64xf32, #tpu.memory_space<hbm>> -> memref<1x1x64xf32, #tpu.memory_space<hbm>>
      %dma_wait3A_161 = tpu.memref_squeeze %dma_wait3A_160 : memref<1x1x64xf32, #tpu.memory_space<hbm>> -> memref<1x64xf32, #tpu.memory_space<hbm>>
      tpu.wait_dma2 semaphore(%run_scoped3A : memref<!tpu.dma_semaphore, #tpu.memory_space<semaphore_mem>>) src(%arg11 : memref<1x64xf32, #tpu.memory_space<vmem>>) dst(%dma_wait3A_161 : memref<1x64xf32, #tpu.memory_space<hbm>>)
      tpu.yield
    }) : () -> ()
    return
  }
}

module attributes {stable_mosaic.version = 14 : i64} {
  func.func @mlp_body(%arg0: i32, %arg1: memref<2048x64xf32, #tpu.memory_space<vmem>>, %arg2: memref<32x64xf32, #tpu.memory_space<vmem>>, %arg3: memref<256x64xf32, #tpu.memory_space<vmem>>, %arg4: memref<1x256xf32, #tpu.memory_space<vmem>>, %arg5: memref<16x256xf32, #tpu.memory_space<vmem>>, %arg6: memref<1x16xf32, #tpu.memory_space<vmem>>, %arg7: memref<2048x16xf32, #tpu.memory_space<vmem>>) attributes {dimension_semantics = [#tpu.dimension_semantics<arbitrary>], iteration_bounds = array<i64: 8>, scalar_prefetch = 0 : i64, scratch_operands = 0 : i64, tpu.core_type = #tpu.core_type<tc>, window_params = [{transform_indices = @transform_0, window_bounds = array<i64: 2048, 64>}, {pipeline_mode = #tpu.pipeline_mode<synchronous>, transform_indices = @transform_1, window_bounds = array<i64: 32, 64>}, {pipeline_mode = #tpu.pipeline_mode<synchronous>, transform_indices = @transform_2, window_bounds = array<i64: 256, 64>}, {pipeline_mode = #tpu.pipeline_mode<synchronous>, transform_indices = @transform_3, window_bounds = array<i64: 1, 256>}, {pipeline_mode = #tpu.pipeline_mode<synchronous>, transform_indices = @transform_4, window_bounds = array<i64: 16, 256>}, {pipeline_mode = #tpu.pipeline_mode<synchronous>, transform_indices = @transform_5, window_bounds = array<i64: 1, 16>}, {transform_indices = @transform_6, window_bounds = array<i64: 2048, 16>}]} {
    %get3A = arith.constant 0 : index
    %get3A_0 = arith.constant 0 : index
    %get3A_1 = vector.load %arg1[%get3A, %get3A_0] : memref<2048x64xf32, #tpu.memory_space<vmem>>, vector<2048x64xf32>
    %mul3A = arith.constant 2048 : i32
    %mul3A_2 = arith.muli %arg0, %mul3A : i32
    %iota3A = tpu.iota {dimensions = array<i32: 0>} : vector<2048x1xi32>
    %add3A = vector.broadcast %mul3A_2 : i32 to vector<2048x1xi32>
    %add3A_3 = arith.addi %add3A, %iota3A : vector<2048x1xi32>
    %get3A_4 = arith.constant 0 : index
    %get3A_5 = arith.constant 0 : index
    %get3A_6 = vector.load %arg2[%get3A_4, %get3A_5] : memref<32x64xf32, #tpu.memory_space<vmem>>, vector<32x64xf32>
    %reduce_sum3A = arith.constant dense<0.000000e+00> : vector<64xf32>
    %reduce_sum3A_7 = vector.multi_reduction <add>, %get3A_6, %reduce_sum3A [0] : vector<32x64xf32> to vector<64xf32>
    %broadcast_in_dim3A = vector.shape_cast %reduce_sum3A_7 : vector<64xf32> to vector<1x64xf32>
    %eq3A = arith.constant 16383 : i32
    %eq3A_8 = vector.broadcast %eq3A : i32 to vector<2048x1xi32>
    %eq3A_9 = arith.cmpi eq, %add3A_3, %eq3A_8 : vector<2048x1xi32>
    %add3A_10 = vector.broadcast %broadcast_in_dim3A : vector<1x64xf32> to vector<2048x64xf32>
    %add3A_11 = arith.addf %get3A_1, %add3A_10 : vector<2048x64xf32>
    %div3A = arith.constant 8.028170e+05 : f32
    %div3A_12 = vector.broadcast %div3A : f32 to vector<2048x64xf32>
    %div3A_13 = arith.divf %add3A_11, %div3A_12 : vector<2048x64xf32>
    %broadcast_in_dim3A_14 = vector.shape_cast %eq3A_9 : vector<2048x1xi1> to vector<2048x1xi1>
    %broadcast_in_dim3A_15 = vector.broadcast %broadcast_in_dim3A_14 : vector<2048x1xi1> to vector<2048x64xi1>
    %select_n3A = arith.select %broadcast_in_dim3A_15, %div3A_13, %get3A_1 : vector<2048x64xi1>, vector<2048x64xf32>
    %get3A_16 = arith.constant 0 : index
    %get3A_17 = arith.constant 0 : index
    %get3A_18 = vector.load %arg3[%get3A_16, %get3A_17] : memref<256x64xf32, #tpu.memory_space<vmem>>, vector<256x64xf32>
    %dot_general3A = arith.constant dense<0.000000e+00> : vector<2048x256xf32>
    %dot_general3A_19 = tpu.matmul %select_n3A, %get3A_18, %dot_general3A {dimension_numbers = #tpu.dot_dimension_numbers<[1], [1], [0], [0], [0, 0, 1, 0], [], []>, transpose_lhs_hint = false} : vector<2048x64xf32>, vector<256x64xf32>, vector<2048x256xf32> -> vector<2048x256xf32>
    %get3A_20 = arith.constant 0 : index
    %get3A_21 = arith.constant 0 : index
    %get3A_22 = vector.load %arg4[%get3A_20, %get3A_21] : memref<1x256xf32, #tpu.memory_space<vmem>>, vector<1x256xf32>
    %add3A_23 = vector.broadcast %get3A_22 : vector<1x256xf32> to vector<2048x256xf32>
    %add3A_24 = arith.addf %dot_general3A_19, %add3A_23 : vector<2048x256xf32>
    %get3A_25 = arith.constant 0 : index
    %get3A_26 = arith.constant 0 : index
    %get3A_27 = vector.load %arg5[%get3A_25, %get3A_26] : memref<16x256xf32, #tpu.memory_space<vmem>>, vector<16x256xf32>
    %dot_general3A_28 = arith.constant dense<0.000000e+00> : vector<2048x16xf32>
    %dot_general3A_29 = tpu.matmul %add3A_24, %get3A_27, %dot_general3A_28 {dimension_numbers = #tpu.dot_dimension_numbers<[1], [1], [0], [0], [0, 0, 1, 0], [], []>, transpose_lhs_hint = false} : vector<2048x256xf32>, vector<16x256xf32>, vector<2048x16xf32> -> vector<2048x16xf32>
    %get3A_30 = arith.constant 0 : index
    %get3A_31 = arith.constant 0 : index
    %get3A_32 = vector.load %arg6[%get3A_30, %get3A_31] : memref<1x16xf32, #tpu.memory_space<vmem>>, vector<1x16xf32>
    %add3A_33 = vector.broadcast %get3A_32 : vector<1x16xf32> to vector<2048x16xf32>
    %add3A_34 = arith.addf %dot_general3A_29, %add3A_33 : vector<2048x16xf32>
    %swap3A = arith.constant 0 : index
    %swap3A_35 = arith.constant 0 : index
    %swap3A_36 = vector.load %arg7[%swap3A, %swap3A_35] : memref<2048x16xf32, #tpu.memory_space<vmem>>, vector<2048x16xf32>
    tpu.vector_store %arg7[%swap3A, %swap3A_35], %add3A_34 {strides = array<i32>} : memref<2048x16xf32, #tpu.memory_space<vmem>>, vector<2048x16xf32>,
    return
  }
  func.func @transform_0(%arg0: i32) -> (i32, i32) {
    %c0_i32 = arith.constant 0 : i32
    %c0_i32_0 = arith.constant 0 : i32
    return %arg0, %c0_i32 : i32, i32
  }
  func.func @transform_1(%arg0: i32) -> (i32, i32) {
    %c0_i32 = arith.constant 0 : i32
    %c0_i32_0 = arith.constant 0 : i32
    %c0_i32_1 = arith.constant 0 : i32
    return %c0_i32, %c0_i32_0 : i32, i32
  }
  func.func @transform_2(%arg0: i32) -> (i32, i32) {
    %c0_i32 = arith.constant 0 : i32
    %c0_i32_0 = arith.constant 0 : i32
    %c0_i32_1 = arith.constant 0 : i32
    return %c0_i32, %c0_i32_0 : i32, i32
  }
  func.func @transform_3(%arg0: i32) -> (i32, i32) {
    %c0_i32 = arith.constant 0 : i32
    %c0_i32_0 = arith.constant 0 : i32
    %c0_i32_1 = arith.constant 0 : i32
    return %c0_i32, %c0_i32_0 : i32, i32
  }
  func.func @transform_4(%arg0: i32) -> (i32, i32) {
    %c0_i32 = arith.constant 0 : i32
    %c0_i32_0 = arith.constant 0 : i32
    %c0_i32_1 = arith.constant 0 : i32
    return %c0_i32, %c0_i32_0 : i32, i32
  }
  func.func @transform_5(%arg0: i32) -> (i32, i32) {
    %c0_i32 = arith.constant 0 : i32
    %c0_i32_0 = arith.constant 0 : i32
    %c0_i32_1 = arith.constant 0 : i32
    return %c0_i32, %c0_i32_0 : i32, i32
  }
  func.func @transform_6(%arg0: i32) -> (i32, i32) {
    %c0_i32 = arith.constant 0 : i32
    %c0_i32_0 = arith.constant 0 : i32
    return %arg0, %c0_i32 : i32, i32
  }
}

</mosaic_0001>

<sc_bundles>
// kernel: kernel.4.cloned.1.call-start
scs
__scs_entry_jumppad:
0x0: {  	(pc) =	sbr.rel $0x88, $3  }
0x1: {  	(tag) =	ssettag $0x0;
	lr =	simm.s32 $0x1  }
0x2: {  	[smem:$0x3F9B] =	sst lr;
	_ =	strace $0xD0000000  }
0x3: {  	_ = 	snop  }
0x4: {  	_ = 	snop  }
0x5: {  	_ = 	snop  }
0x6: {  	_ = 	snop  }
0x7: {  	_ = 	snop  }
__scs_overlays_trampoline_lowered:
0x8: {  	[smem:$0x3FAA] =	sst s0  }
0x9: {  	[smem:$0x3FAB] =	sst s1  }
0xa: {  	[smem:$0x3FAC] =	sst s2  }
0xb: {  	[smem:$0x3FAD] =	sst s3  }
0xc: {  	[smem:$0x3FAE] =	sst s4  }
0xd: {  	[smem:$0x3FAF] =	sst s5  }
0xe: {  	[smem:$0x3FB0] =	sst s6  }
0xf: {  	[smem:$0x3FB1] =	sst s7  }
0x10: {  	[smem:$0x3FB2] =	sst s8  }
0x11: {  	[smem:$0x3FB3] =	sst s9;
	s0 =	simm.s32 @!p0 $0x0  }
0x12: {  	s1 =	sld [smem:$0x3F99];
	s0 =	simm.s32 @p0 $0x1  }
0x13: {  	[smem:$0x3FB4] =	sst s0;
	s0 =	simm.s32 @!p1 $0x0  }
0x14: {  	s2 =	sld [smem:$0x3F98];
	s0 =	simm.s32 @p1 $0x1  }
0x15: {  	[smem:$0x3FB5] =	sst s0;
	s0 =	simm.s32 @!p2 $0x0  }
0x16: {  	s3 =	sld [smem:$0x3FDB];
	s0 =	simm.s32 @p2 $0x1  }
0x17: {  	s4 =	simm.s32 $0x1BF5;
	[smem:$0x3FB7] =	sst s0  }
0x18: {  	s0 =	sld [smem:$0x3F9A];
	_ =	swait.ge [sflag:s4], $0x0  }
0x19: {  	s7 =	sld [smem:$0x3F9B]  }
0x1a: {  	s8 =	sadd.s32 $0xFFFFE003, lr  }
0x1b: {  	s9 =	sadd.s32 $0xFFFFFEF7, lr;
	s5 =	simm.s32 $0xFFFFFFFF;
	p2 =	slt.u32 s8, $0xFFFFF086  }
0x1c: {  	p1 =	slt.u32 s9, $0xF7A;
	s5 =	simm.s32 @!p2 $0x0  }
0x1d: {  	s5 =	simm.s32 @p1 $0x1;
	p0 =	seq.s32 s7, s2  }
0x1e: {  	s7 =	smul.u32 @!p0 $0xF7A, s2;
	p2 =	seq.s32 @!p0 s5, $0x0  }
0x1f: {  	s9 =	smul.u32 $0xF7A, s1;
	s8 =	simm.s32 @!p0 $0x1BF5;
	p2 =	por !p2, p0  }
0x20: {  	[sflag:s8] =	ssyncset.s32 @!p0 $0xFFFFF086;
	s6 =	sadd.s32 @!p0 s3, s7;
	s7 =	simm.s32 @!p0 $0x108  }
0x21: {  	s3 =	sadd.s32 s3, s9;
	s6 =	sadd.s32 @!p0 $0x88, s6;
	s7 =	simm.s32 @p2 $0x1082  }
0x22: {  	[simem:s7], [sflag:s8] =	dma.local @!p0 [hbm:s6], $0xF7A  }
0x23: {  	s9 =	sor.u32 $0xD0000000, s2;
	s6 =	simm.s32 $0x108;
	_ =	swait.ge @!p0 [sflag:s8], $0x0  }
0x24: {  	s3 =	sadd.s32 $0x88, s3;
	s6 =	simm.s32 @!p1 $0x1082;
	[sflag:s4] =	ssyncset.s32 $0xFFFFF086  }
0x25: {  	[simem:s6], [sflag:s4] =	dma.local [hbm:s3], $0xF7A  }
0x26: {  	[smem:$0x3F9B] =	sst s1;
	(tag) =	ssettag s2;
	_ =	strace s9  }
0x27: {  	s1 =	sld [smem:$0x3FAB]  }
0x28: {  	s2 =	sld [smem:$0x3FAC]  }
0x29: {  	s4 =	sld [smem:$0x3FAE]  }
0x2a: {  	p0 =	seq.s32 s5, $0x0;
	s5 =	sld [smem:$0x3FAF]  }
0x2b: {  	s6 =	sld [smem:$0x3FB0]  }
0x2c: {  	s7 =	sld [smem:$0x3FB1]  }
0x2d: {  	s3 =	simm.s32 $0x108;
	s8 =	sld [smem:$0x3FB2]  }
0x2e: {  	s3 =	simm.s32 @!p0 $0x1082;
	s9 =	sld [smem:$0x3FB3]  }
0x2f: {  	lr =	sadd.s32 s0, s3;
	s0 =	sld [smem:$0x3FAA]  }
0x30: {  	s3 =	sld [smem:$0x3FAD]  }
0x31: {  	[smem:$0x3FB6] =	sst s10  }
0x32: {  	s10 =	sld [smem:$0x3FB4];
	_ =	sdelay $0x3  }
0x33: {  	p0 =	seq.s32 s10, $0x1;
	s10 =	sld [smem:$0x3FB6];
	_ =	sdelay $0x3  }
0x34: {  	[smem:$0x3FB6] =	sst s10  }
0x35: {  	s10 =	sld [smem:$0x3FB5];
	_ =	sdelay $0x3  }
0x36: {  	p1 =	seq.s32 s10, $0x1;
	s10 =	sld [smem:$0x3FB6];
	_ =	sdelay $0x3  }
0x37: {  	[smem:$0x3FB6] =	sst s10  }
0x38: {  	s10 =	sld [smem:$0x3FB7]  }
0x39: {  	_ = 	snop;
	(pc) =	sbr.ind lr, $3  }
0x3a: {  	_ = 	snop  }
0x3b: {  	_ = 	snop  }
0x3c: {  	p2 =	seq.s32 s10, $0x1;
	s10 =	sld [smem:$0x3FB6]  }
0x3d: {  	_ =	shalt  }
0x3e: {  	_ =	shalt  }
0x3f: {  	_ =	shalt  }
0x40: {  	_ =	shalt  }
0x41: {  	_ =	shalt  }
0x42: {  	_ =	shalt  }
0x43: {  	_ =	shalt  }
0x44: {  	_ =	shalt  }
0x45: {  	_ =	shalt  }
0x46: {  	_ =	shalt  }
0x47: {  	_ =	shalt  }
0x48: {  	_ =	shalt  }
0x49: {  	_ =	shalt  }
0x4a: {  	_ =	shalt  }
0x4b: {  	_ =	shalt  }
0x4c: {  	_ =	shalt  }
0x4d: {  	_ =	shalt  }
0x4e: {  	_ =	shalt  }
0x4f: {  	_ =	shalt  }
0x50: {  	_ =	shalt  }
0x51: {  	_ =	shalt  }
0x52: {  	_ =	shalt  }
0x53: {  	_ =	shalt  }
0x54: {  	_ =	shalt  }
0x55: {  	_ =	shalt  }
0x56: {  	_ =	shalt  }
0x57: {  	_ =	shalt  }
0x58: {  	_ =	shalt  }
0x59: {  	_ =	shalt  }
0x5a: {  	_ =	shalt  }
0x5b: {  	_ =	shalt  }
0x5c: {  	_ =	shalt  }
0x5d: {  	_ =	shalt  }
0x5e: {  	_ =	shalt  }
0x5f: {  	_ =	shalt  }
0x60: {  	_ =	shalt  }
0x61: {  	_ =	shalt  }
0x62: {  	_ =	shalt  }
0x63: {  	_ =	shalt  }
0x64: {  	_ =	shalt  }
0x65: {  	_ =	shalt  }
0x66: {  	_ =	shalt  }
0x67: {  	_ =	shalt  }
0x68: {  	_ =	shalt  }
0x69: {  	_ =	shalt  }
0x6a: {  	_ =	shalt  }
0x6b: {  	_ =	shalt  }
0x6c: {  	_ =	shalt  }
0x6d: {  	_ =	shalt  }
0x6e: {  	_ =	shalt  }
0x6f: {  	_ =	shalt  }
0x70: {  	_ =	shalt  }
0x71: {  	_ =	shalt  }
0x72: {  	_ =	shalt  }
0x73: {  	_ =	shalt  }
0x74: {  	_ =	shalt  }
0x75: {  	_ =	shalt  }
0x76: {  	_ =	shalt  }
0x77: {  	_ =	shalt  }
0x78: {  	_ =	shalt  }
0x79: {  	_ =	shalt  }
0x7a: {  	_ =	shalt  }
0x7b: {  	_ =	shalt  }
0x7c: {  	_ =	shalt  }
0x7d: {  	_ =	shalt  }
0x7e: {  	_ =	shalt  }
0x7f: {  	_ =	shalt  }
0x80: {  	_ =	shalt  }
0x81: {  	_ =	shalt  }
0x82: {  	_ =	shalt  }
0x83: {  	_ =	shalt  }
0x84: {  	_ =	shalt  }
0x85: {  	_ =	shalt  }
0x86: {  	_ =	shalt  }
0x87: {  	_ =	shalt  }
.Lfunc_end0:
.L_simem_size_0:
called_computation_lowered:
.L_overlay_start_0:
0x88: {  	s2 =	sld [smem:$0x3FD9]  }
0x89: {  	s3 =	sld [smem:$0x3FFE];
	_ =	sdelay $0x1  }
0x8a: {  	s1 =	srdreg.scid  }
0x8b: {  	s0 =	sand.u32 $0x1, s1  }
0x8c: {  	s17 =	sshll.u32 s0, $0xA;
	s2 =	sadd.s32 s3, s2  }
0x8d: {  	s2 =	sadd.s32 s2, s17  }
0x8e: {  	[smem:$0x3FC2] =	sst s2  }
0x8f: {  	_ = 	snop  }
0x90: {  	s2 =	sld [smem:$0x3FD0];
	(tm) =	ssettm $0x1  }
0x91: {  	s18 =	sld [smem:$0x3FFB];
	_ =	sdelay $0x3  }
0x92: {  	_ =	strace s18  }
0x93: {  	s3 =	sld [smem:$0x3FFC];
	_ =	sdelay $0x3  }
0x94: {  	_ =	strace s3  }
0x95: {  	s3 =	sld [smem:$0x3FFD];
	_ =	sdelay $0x3  }
0x96: {  	_ =	strace s3  }
0x97: {  	_ =	strace $0x8FFFFFFF  }
0x98: {  	s19 =	sld [smem:$0x3FDB];
	_ =	sdelay $0x1  }
0x99: {  	s4 =	simm.s32 $_scs_section_size  }
0x9a: {  	s5 =	simm.s32 $_size__tile_overlayer_lowered;
	s6 =	simm.s32 $_tile_overlayer_lowered  }
0x9b: {  	s22 =	simm.s32 $0x1BFF;
	s21 =	sshll.u32 s6, $0x1;
	s3 =	sadd.s32 s4, s19  }
0x9c: {  	s7 =	simm.s32 $0x0;
	s20 =	sshll.u32 s5, $0x1;
	s5 =	sadd.s32 s21, s3  }
0x9d: {  	[timem:s7], [sflag:s22] =	dma.local [hbm:s5], s20  }
0x9e: {  	_ =	swait.ge [sflag:s22], s20  }
0x9f: {  	s4 =	ssub.s32 $0x0, s20;
	[sflag:s22] =	ssyncset.done $0x0  }
0xa0: {  	[sflag:s22] =	ssyncadd.s32 s4;
	_ =	sdelay $0x1  }
0xa1: {  	s23 =	simm.s32 $0x1B8B  }
0xa2: {  	_ =	swait.ge [sflag:s23], $0x1  }
0xa3: {  	[sflag:s23] =	ssyncset.done $0x0  }
0xa4: {  	s25 =	simm.s32 $0x1B8E;
	s24 =	sld [smem:$0x3FFE];
	[sflag:s23] =	ssyncadd.s32 $0xFFFFFFFF  }
0xa5: {  	s26 =	simm.s32 $execute0_lowered;
	[smem:$0x3FD2] =	sst s25  }
0xa6: {  	s5 =	sshll.u32 s26, $0x1;
	_ =	strace $0x80000046;
	[dreg:$0x1] =	wrdreg $0xFFFFFFFF  }
0xa7: {  	s28 =	simm.s32 $_size_execute0_lowered;
	s3 =	sadd.s32 s3, s5;
	[dreg:$0x0] =	wrdreg $0x0  }
0xa8: {  	s5 =	sshll.u32 s28, $0x1;
	[dreg:$0x2] =	wrdreg s3  }
0xa9: {  	[dreg:$0x3] =	wrdreg s5  }
0xaa: {  	[dreg:$0x4] =	wrdreg $0xC0  }
0xab: {  	_ =	task [dreg:s7], $0x5FFFF  }
0xac: {  	[dreg:$0x1] =	wrdreg $0xFFFFFFFF  }
0xad: {  	[dreg:$0x0] =	wrdreg $0x60  }
0xae: {  	[dreg:$0x2] =	wrdreg s2  }
0xaf: {  	[dreg:$0x3] =	wrdreg s24  }
0xb0: {  	[dreg:$0x4] =	wrdreg $0x9  }
0xb1: {  	_ =	task.clear_ibuf [dreg:s7], $0x5FFFF;
	_ =	strace $0x90000046  }
0xb2: {  	s29 =	simm.s32 $0x9;
	_ =	strace $0x80000048  }
0xb3: {  	_ =	swait.ge [sflag:s29], $0x1  }
0xb4: {  	[sflag:s29] =	ssyncadd.s32 $0xFFFFFFFF  }
0xb5: {  	_ =	strace $0x90000048  }
0xb6: {  	_ =	sfence  }
0xb7: {  	s30 =	sld [smem:$0x0];
	_ =	sdelay $0x2  }
0xb8: {  	s31 =	sshll.u32 s1, $0xD;
	s1 =	sshrl.u32 s1, $0x2  }
0xb9: {  	s3 =	sand.u32 $0x4000, s31;
	s1 =	sadd.s32 s1, s30  }
0xba: {  	s0 =	sor.u32 s3, s0;
	s1 =	sshll.u32 s1, $0x11  }
0xbb: {  	s0 =	sor.u32 s1, s0  }
0xbc: {  	s0 =	sadd.s32 $0x8F2B, s0  }
0xbd: {  	[sflag:s0] =	ssyncadd.remote.s32 $0x1  }
0xbe: {  	_ =	sfence.sel $0xFFFF  }
0xbf: {  	[dreg:$0x0] =	wrdreg $0xFFFFFFFF;
	(pc) =	sbr.abs _section_cstart, $3  }
0xc0: {  	[dreg:$0x1] =	wrdreg $0xFFFFFFFF  }
0xc1: {  	_ =	task.clear_ibuf [dreg:s7], $0x2FFFF;
	_ =	strace $0x9FFFFFFF  }
0xc2: {  	(tm) =	ssettm $0x7FFFFFFF  }
0xc3: {  	_ =	shalt  }
tec
execute0_lowered:
.L_overlay_start_1:
0x0: {  	(tag) =	ssettag $0x1  }
0x1: {  	s0 =	srdreg.scid;
	s1 =	rddreg [dreg:$0x0]  }
0x2: {  	s2 =	stileid.u32;
	s4 =	rddreg [dreg:$0x1]  }
0x3: {  	s10 =	simm.s32 $0x80;
	s11 =	simm.s32 $0x6400;
	s12 =	simm.s32 $0x8400  }
0x4: {  	s14 =	simm.s32 $0xA400;
	s15 =	simm.s32 $0x180;
	s16 =	simm.s32 $0xC400  }
0x5: {  	s17 =	simm.s32 $0x1;
	s18 =	simm.s32 $0x200;
	s19 =	simm.s32 $0x280  }
0x6: {  	s20 =	simm.s32 $0x300;
	s21 =	simm.s32 $0x380;
	s22 =	simm.s32 $0xE400  }
0x7: {  	s23 =	simm.s32 $0x10400;
	s24 =	simm.s32 $0x12400;
	s25 =	simm.s32 $0x14400  }
0x8: {  	s26 =	simm.s32 $0x2;
	s28 =	simm.s32 $0x16400;
	s29 =	simm.s32 $0x0  }
0x9: {  	s13 =	simm.s32 $0x0;
	s0 =	sand.u32 $0x1, s0;
	s2 =	sshll.u32 s2, $0x1  }
0xa: {  	s5 =	sor.u32 s0, s2;
	s2 =	simm.s32 $0x0;
	s0 =	ssub.s32 $0x2, s0  }
0xb: {  	s3 =	smul.u32 $0xC40, s5;
	[smem:$0x7FF] =	sst s2;
	s7 =	sshll.u32 s5, $0xC  }
0xc: {  	s8 =	sshll.u32 s5, $0x3;
	s9 =	sshrl.u32 s0, $0x1;
	s5 =	sshll.u32 s5, $0x6  }
0xd: {  	_ =	strace $0x80000047;
	s7 =	sadd.s32 s7, s4;
	s8 =	sadd.s32 s8, s4  }
0xe: {  	s0 =	ssub.s32 s0, s9;
	s9 =	simm.s32 $0x3;
	s6 =	sadd.s32 s3, s4  }
0xf: {  	s3 =	sadd.s32 $0xF5BE00, s4;
	s4 =	sadd.s32 s1, s5;
	s5 =	sadd.s32 $0x19A00, s7  }
0x10: {  	s7 =	sadd.s32 $0x39A00, s8;
	s8 =	smax.u32 s0, $0x1;
	s6 =	sadd.s32 $0x1200, s6  }
.LBB2_1:
0x11: {  	[tilespmem:s2], [sflag:$0x3] =	stream.linear.gather [hbm4b:s4+s2], $0x200, $0x38;
	[tilespmem:$0x16440] =	vst v63  }
0x12: {  	_ =	swait.ge [sflag:s9], $0x200  }
0x13: {  	[sflag:s9] =	ssyncset.done $0x0  }
0x14: {  	[sflag:s9] =	ssyncadd.s32 $0xFFFFFE00  }
0x15: {  	[tilespmem:s11], [sflag:$0x1] =	stream.indirect.gather [hbm4b:s3+s10], $0x40, s2, s10, $0xb8;
	[tilespmem:$0x16440] =	vst v63  }
0x16: {  	_ = 	snop  }
0x17: {  	[tilespmem:s12], [sflag:$0x1] =	stream.indirect.gather [hbm4b:s3+s10], $0x40, s10, s10, $0xb8;
	[tilespmem:$0x16440] =	vst v63  }
0x18: {  	s0 =	simm.s32 $0x100  }
0x19: {  	[tilespmem:s14], [sflag:$0x1] =	stream.indirect.gather [hbm4b:s3+s10], $0x40, s0, s10, $0xb8;
	[tilespmem:$0x16440] =	vst v63  }
0x1a: {  	_ = 	snop  }
0x1b: {  	[tilespmem:s16], [sflag:$0x1] =	stream.indirect.gather [hbm4b:s3+s10], $0x40, s15, s10, $0xb8;
	[tilespmem:$0x16440] =	vst v63  }
0x1c: {  	_ =	swait.ge [sflag:s17], $0x8000  }
0x1d: {  	[sflag:s17] =	ssyncset.done $0x0  }
0x1e: {  	[sflag:s17] =	ssyncadd.s32 $0xFFFF8000  }
0x1f: {  	[hbm4b:s5+s2] =	stream.linear.scatter [tilespmem:s11], [sflag:$0x3], $0x8000, $0x38;
	[tilespmem:$0x16440] =	vst v63  }
0x20: {  	_ =	swait.ge [sflag:s9], $0x8000  }
0x21: {  	[sflag:s9] =	ssyncset.done $0x0  }
0x22: {  	[sflag:s9] =	ssyncadd.s32 $0xFFFF8000  }
0x23: {  	[tilespmem:s18], [sflag:$0x3] =	stream.linear.gather [hbm4b:s6+s2], $0x6200, $0x38;
	[tilespmem:$0x16440] =	vst v63  }
0x24: {  	_ =	swait.ge [sflag:s9], $0x6200  }
0x25: {  	[sflag:s9] =	ssyncset.done $0x0  }
0x26: {  	[sflag:s9] =	ssyncadd.s32 $0xFFFF9E00  }
0x27: {  	[tilespmem:s11], [sflag:$0x1] =	stream.indirect.gather [hbm4b:s3+s10], $0x40, s18, s10, $0xb8;
	[tilespmem:$0x16440] =	vst v63  }
0x28: {  	v0 =	vimm.f32 $0.0e+00  }
0x29: {  	v6 =	vimm.f32 $0.0e+00;
	v1 =	vimm.f32 $0.0e+00;
	v2 =	vimm.f32 $0.0e+00;
	[tilespmem:s12], [sflag:$0x1] =	stream.indirect.gather [hbm4b:s3+s10], $0x40, s19, s10, $0xb8;
	[tilespmem:$0x16440] =	vst v63  }
0x2a: {  	v3 =	vimm.f32 $0.0e+00;
	v4 =	vimm.f32 $0.0e+00;
	v15 =	vimm.f32 $0.0e+00  }
0x2b: {  	v14 =	vimm.f32 $0.0e+00;
	v16 =	vimm.f32 $0.0e+00;
	v17 =	vimm.f32 $0.0e+00;
	[tilespmem:s14], [sflag:$0x1] =	stream.indirect.gather [hbm4b:s3+s10], $0x40, s20, s10, $0xb8;
	[tilespmem:$0x16440] =	vst v63  }
0x2c: {  	v18 =	vimm.f32 $0.0e+00;
	v19 =	vimm.f32 $0.0e+00;
	v9 =	vimm.f32 $0.0e+00;
	s30 =	simm.s32 $0x0  }
0x2d: {  	v8 =	vimm.f32 $0.0e+00;
	v7 =	vimm.f32 $0.0e+00;
	v20 =	vimm.f32 $0.0e+00;
	[tilespmem:s16], [sflag:$0x1] =	stream.indirect.gather [hbm4b:s3+s10], $0x40, s21, s10, $0xb8;
	[tilespmem:$0x16440] =	vst v63  }
.LBB2_2:
0x2e: {  	s0 =	sshll.u32 s30, $0xA  }
0x2f: {  	s31 =	sand.u32 $0x3FFFFC00, s0  }
0x30: {  	s0 =	sadd.s32 $0x400, s31  }
0x31: {  	[tilespmem:s22], [sflag:$0x2] =	stream.indirect.gather [hbm4b:s3+s10], $0x40, s0, s10, $0xb8;
	[tilespmem:$0x16440] =	vst v63  }
0x32: {  	s1 =	sadd.s32 $0x480, s31  }
0x33: {  	[tilespmem:s23], [sflag:$0x2] =	stream.indirect.gather [hbm4b:s3+s10], $0x40, s1, s10, $0xb8;
	[tilespmem:$0x16440] =	vst v63  }
0x34: {  	s1 =	sadd.s32 $0x500, s31  }
0x35: {  	[tilespmem:s24], [sflag:$0x2] =	stream.indirect.gather [hbm4b:s3+s10], $0x40, s1, s10, $0xb8;
	[tilespmem:$0x16440] =	vst v63  }
0x36: {  	s1 =	sadd.s32 $0x580, s31  }
0x37: {  	[tilespmem:s25], [sflag:$0x2] =	stream.indirect.gather [hbm4b:s3+s10], $0x40, s1, s10, $0xb8;
	[tilespmem:$0x16440] =	vst v63  }
0x38: {  	_ =	swait.ge [sflag:s17], $0x8000  }
0x39: {  	[sflag:s17] =	ssyncset.done $0x0  }
0x3a: {  	[sflag:s17] =	ssyncadd.s32 $0xFFFF8000  }
0x3b: {  	v5 =	vld [tilespmem:s13+$0x64F0]  }
0x3c: {  	v10 =	vld [tilespmem:s13+$0x6400]  }
0x3d: {  	v11 =	vld [tilespmem:s13+$0x6410]  }
0x3e: {  	v12 =	vld [tilespmem:s13+$0x6420]  }
0x3f: {  	v13 =	vld [tilespmem:s13+$0x6430]  }
0x40: {  	v22 =	vld [tilespmem:s13+$0x6440]  }
0x41: {  	v23 =	vld [tilespmem:s13+$0x6450]  }
0x42: {  	v24 =	vld [tilespmem:s13+$0x6460]  }
0x43: {  	v25 =	vld [tilespmem:s13+$0x6470]  }
0x44: {  	v26 =	vld [tilespmem:s13+$0x6480]  }
0x45: {  	v27 =	vld [tilespmem:s13+$0x6490];
	v5 =	vadd.f32 v5, v6  }
0x46: {  	v6 =	vadd.f32 v10, v20;
	v7 =	vadd.f32 v11, v7;
	v20 =	vld [tilespmem:s13+$0x64A0]  }
0x47: {  	v21 =	vld [tilespmem:s13+$0x64B0];
	v8 =	vadd.f32 v12, v8;
	v9 =	vadd.f32 v13, v9  }
0x48: {  	v10 =	vadd.f32 v22, v19;
	v11 =	vadd.f32 v23, v18;
	v18 =	vld [tilespmem:s13+$0x64C0]  }
0x49: {  	v12 =	vadd.f32 v24, v17;
	v13 =	vadd.f32 v25, v16;
	v16 =	vld [tilespmem:s13+$0x64D0]  }
0x4a: {  	s0 =	simm.s32 $0x800;
	s1 =	simm.s32 $0x100;
	v14 =	vadd.f32 v26, v14;
	v15 =	vadd.f32 v27, v15;
	v17 =	vld [tilespmem:s13+$0x64E0]  }
.LBB2_3:
0x4b: {  	p0 =	sne.s32 s0, $0x1FC00;
	v19 =	vld [tilespmem:s1+$0x64F0];
	v4 =	vadd.f32 v20, v4  }
0x4c: {  	v20 =	vld [tilespmem:s1+$0x6400];
	v3 =	vadd.f32 v21, v3  }
0x4d: {  	v21 =	vld [tilespmem:s1+$0x6410];
	v2 =	vadd.f32 v18, v2  }
0x4e: {  	v18 =	vld [tilespmem:s1+$0x6420];
	v1 =	vadd.f32 v16, v1  }
0x4f: {  	v16 =	vld [tilespmem:s1+$0x6430];
	v0 =	vadd.f32 v17, v0  }
0x50: {  	v17 =	vld [tilespmem:s1+$0x6440];
	v5 =	vadd.f32 v19, v5  }
0x51: {  	v6 =	vadd.f32 v20, v6;
	v19 =	vld [tilespmem:s1+$0x6450]  }
0x52: {  	v7 =	vadd.f32 v21, v7;
	v21 =	vld [tilespmem:s1+$0x6460]  }
0x53: {  	v8 =	vadd.f32 v18, v8;
	v18 =	vld [tilespmem:s1+$0x6470]  }
0x54: {  	v9 =	vadd.f32 v16, v9;
	v16 =	vld [tilespmem:s1+$0x6480]  }
0x55: {  	v10 =	vadd.f32 v17, v10;
	v17 =	vld [tilespmem:s1+$0x6490]  }
.Ltmp0:
0x56: {  	v11 =	vadd.f32 v19, v11;
	v20 =	vld [tilespmem:s1+$0x64A0];
	(pc) =	sbr.rel @p0 .LBB2_3-.Ltmp0, $4  }
0x57: {  	v12 =	vadd.f32 v21, v12;
	v21 =	vld [tilespmem:s1+$0x64B0]  }
0x58: {  	v13 =	vadd.f32 v18, v13;
	v18 =	vld [tilespmem:s1+$0x64C0]  }
0x59: {  	v14 =	vadd.f32 v16, v14;
	v16 =	vld [tilespmem:s1+$0x64D0]  }
0x5a: {  	v15 =	vadd.f32 v17, v15;
	v17 =	vld [tilespmem:s1+$0x64E0];
	s1 =	sshra.s32 s0, $0x2;
	s0 =	sadd.s32 $0x400, s0  }
0x5b: {  	v19 =	vld [tilespmem:s1+$0x64F0]  }
0x5c: {  	v22 =	vld [tilespmem:s1+$0x6400]  }
0x5d: {  	v23 =	vld [tilespmem:s1+$0x6410]  }
0x5e: {  	v24 =	vld [tilespmem:s1+$0x6420]  }
0x5f: {  	v25 =	vld [tilespmem:s1+$0x6430]  }
0x60: {  	v26 =	vld [tilespmem:s1+$0x6440]  }
0x61: {  	v27 =	vld [tilespmem:s1+$0x6450]  }
0x62: {  	v28 =	vld [tilespmem:s1+$0x6460]  }
0x63: {  	v29 =	vld [tilespmem:s1+$0x6470]  }
0x64: {  	v30 =	vld [tilespmem:s1+$0x6480]  }
0x65: {  	v31 =	vld [tilespmem:s1+$0x6490]  }
0x66: {  	v32 =	vld [tilespmem:s1+$0x64A0]  }
0x67: {  	v33 =	vld [tilespmem:s1+$0x64B0]  }
0x68: {  	v34 =	vld [tilespmem:s1+$0x64C0]  }
0x69: {  	v35 =	vld [tilespmem:s1+$0x64D0];
	s0 =	sadd.s32 $0x600, s31  }
0x6a: {  	v36 =	vld [tilespmem:s1+$0x64E0];
	[tilespmem:s11], [sflag:$0x1] =	stream.indirect.gather [hbm4b:s3+s10], $0x40, s0, s10, $0xb8  }
0x6b: {  	s1 =	sadd.s32 $0x680, s31  }
0x6c: {  	[tilespmem:s12], [sflag:$0x1] =	stream.indirect.gather [hbm4b:s3+s10], $0x40, s1, s10, $0xb8;
	[tilespmem:$0x16440] =	vst v63  }
0x6d: {  	s1 =	sadd.s32 $0x700, s31  }
0x6e: {  	[tilespmem:s14], [sflag:$0x1] =	stream.indirect.gather [hbm4b:s3+s10], $0x40, s1, s10, $0xb8;
	[tilespmem:$0x16440] =	vst v63  }
0x6f: {  	s1 =	sadd.s32 $0x780, s31  }
0x70: {  	[tilespmem:s16], [sflag:$0x1] =	stream.indirect.gather [hbm4b:s3+s10], $0x40, s1, s10, $0xb8;
	[tilespmem:$0x16440] =	vst v63  }
0x71: {  	_ =	swait.ge [sflag:s26], $0x8000  }
0x72: {  	[sflag:s26] =	ssyncset.done $0x0  }
0x73: {  	s1 =	simm.s32 $0x0;
	[sflag:s26] =	ssyncadd.s32 $0xFFFF8000  }
0x74: {  	v4 =	vadd.f32 v20, v4;
	v3 =	vadd.f32 v21, v3;
	v20 =	vld [tilespmem:s1+$0xE4F0]  }
0x75: {  	v2 =	vadd.f32 v18, v2;
	v1 =	vadd.f32 v16, v1;
	v16 =	vld [tilespmem:s1+$0xE400]  }
0x76: {  	v17 =	vadd.f32 v17, v0;
	v5 =	vadd.f32 v19, v5;
	v18 =	vld [tilespmem:s1+$0xE410]  }
0x77: {  	v19 =	vadd.f32 v22, v6;
	v21 =	vadd.f32 v23, v7;
	v22 =	vld [tilespmem:s1+$0xE420]  }
0x78: {  	v23 =	vadd.f32 v24, v8;
	v58 =	vadd.f32 v25, v9;
	v59 =	vld [tilespmem:s1+$0xE430]  }
0x79: {  	v26 =	vadd.f32 v26, v10;
	v27 =	vadd.f32 v27, v11;
	v11 =	vld [tilespmem:s1+$0xE440]  }
0x7a: {  	v12 =	vadd.f32 v28, v12;
	v13 =	vadd.f32 v29, v13;
	v60 =	vld [tilespmem:s1+$0xE450]  }
0x7b: {  	v14 =	vadd.f32 v30, v14;
	v15 =	vadd.f32 v31, v15;
	v61 =	vld [tilespmem:s1+$0xE460]  }
0x7c: {  	v6 =	vadd.f32 v32, v4;
	v0 =	vadd.f32 v33, v3;
	v62 =	vld [tilespmem:s1+$0xE470]  }
0x7d: {  	v7 =	vadd.f32 v34, v2;
	v1 =	vadd.f32 v35, v1;
	v63 =	vld [tilespmem:s1+$0xE480]  }
0x7e: {  	v8 =	vadd.f32 v36, v17;
	v2 =	vadd.f32 v20, v5;
	v20 =	vld [tilespmem:s1+$0xE490]  }
0x7f: {  	v9 =	vadd.f32 v16, v19;
	v3 =	vadd.f32 v18, v21;
	v16 =	vld [tilespmem:s1+$0xE4A0]  }
0x80: {  	v17 =	vld [tilespmem:s1+$0xE4B0];
	v10 =	vadd.f32 v22, v23;
	v4 =	vadd.f32 v59, v58  }
0x81: {  	v11 =	vadd.f32 v11, v26;
	v5 =	vadd.f32 v60, v27;
	v18 =	vld [tilespmem:s1+$0xE4C0]  }
0x82: {  	v12 =	vadd.f32 v61, v12;
	v13 =	vadd.f32 v62, v13;
	v19 =	vld [tilespmem:s1+$0xE4D0]  }
0x83: {  	s0 =	simm.s32 $0x800;
	s31 =	simm.s32 $0x100;
	v14 =	vadd.f32 v63, v14;
	v15 =	vadd.f32 v20, v15;
	v20 =	vld [tilespmem:s1+$0xE4E0]  }
.LBB2_5:
0x84: {  	p0 =	sne.s32 s0, $0x1FC00;
	v21 =	vld [tilespmem:s31+$0xE4F0];
	v6 =	vadd.f32 v16, v6  }
0x85: {  	v16 =	vld [tilespmem:s31+$0xE400];
	v0 =	vadd.f32 v17, v0  }
0x86: {  	v17 =	vld [tilespmem:s31+$0xE410];
	v7 =	vadd.f32 v18, v7  }
0x87: {  	v18 =	vld [tilespmem:s31+$0xE420];
	v1 =	vadd.f32 v19, v1  }
0x88: {  	v19 =	vld [tilespmem:s31+$0xE430];
	v8 =	vadd.f32 v20, v8  }
0x89: {  	v20 =	vld [tilespmem:s31+$0xE440];
	v2 =	vadd.f32 v21, v2  }
0x8a: {  	v9 =	vadd.f32 v16, v9;
	v16 =	vld [tilespmem:s31+$0xE450]  }
0x8b: {  	v3 =	vadd.f32 v17, v3;
	v17 =	vld [tilespmem:s31+$0xE460]  }
0x8c: {  	v10 =	vadd.f32 v18, v10;
	v18 =	vld [tilespmem:s31+$0xE470]  }
0x8d: {  	v4 =	vadd.f32 v19, v4;
	v19 =	vld [tilespmem:s31+$0xE480]  }
0x8e: {  	v11 =	vadd.f32 v20, v11;
	v20 =	vld [tilespmem:s31+$0xE490]  }
.Ltmp1:
0x8f: {  	v5 =	vadd.f32 v16, v5;
	v16 =	vld [tilespmem:s31+$0xE4A0];
	(pc) =	sbr.rel @p0 .LBB2_5-.Ltmp1, $4  }
0x90: {  	v12 =	vadd.f32 v17, v12;
	v17 =	vld [tilespmem:s31+$0xE4B0]  }
0x91: {  	v13 =	vadd.f32 v18, v13;
	v18 =	vld [tilespmem:s31+$0xE4C0]  }
0x92: {  	v14 =	vadd.f32 v19, v14;
	v19 =	vld [tilespmem:s31+$0xE4D0]  }
0x93: {  	v15 =	vadd.f32 v20, v15;
	v20 =	vld [tilespmem:s31+$0xE4E0];
	s31 =	sshra.s32 s0, $0x2;
	s0 =	sadd.s32 $0x400, s0  }
0x94: {  	v21 =	vld [tilespmem:s31+$0xE4F0]  }
0x95: {  	v22 =	vld [tilespmem:s31+$0xE400]  }
0x96: {  	v23 =	vld [tilespmem:s31+$0xE410]  }
0x97: {  	v24 =	vld [tilespmem:s31+$0xE420]  }
0x98: {  	v25 =	vld [tilespmem:s31+$0xE430]  }
0x99: {  	v26 =	vld [tilespmem:s31+$0xE440]  }
0x9a: {  	v27 =	vld [tilespmem:s31+$0xE450]  }
0x9b: {  	v28 =	vld [tilespmem:s31+$0xE460]  }
0x9c: {  	v29 =	vld [tilespmem:s31+$0xE470]  }
0x9d: {  	v30 =	vld [tilespmem:s31+$0xE480]  }
0x9e: {  	v31 =	vadd.f32 v16, v6;
	v32 =	vld [tilespmem:s31+$0xE490]  }
0x9f: {  	v34 =	vld [tilespmem:s31+$0xE4A0];
	v0 =	vadd.f32 v17, v0;
	v33 =	vadd.f32 v18, v7  }
0xa0: {  	v36 =	vld [tilespmem:s31+$0xE4B0];
	v1 =	vadd.f32 v19, v1;
	v35 =	vadd.f32 v20, v8  }
0xa1: {  	v6 =	vadd.f32 v21, v2;
	v20 =	vadd.f32 v22, v9;
	v2 =	vld [tilespmem:s31+$0xE4C0]  }
0xa2: {  	s30 =	sadd.s32 $0x1, s30;
	v7 =	vadd.f32 v23, v3;
	v8 =	vadd.f32 v24, v10;
	v10 =	vld [tilespmem:s31+$0xE4D0]  }
0xa3: {  	p0 =	sne.s32 s30, $0x18;
	v9 =	vadd.f32 v25, v4;
	v19 =	vadd.f32 v26, v11;
	v11 =	vld [tilespmem:s31+$0xE4E0]  }
.Ltmp2:
0xa4: {  	v18 =	vadd.f32 v27, v5;
	v17 =	vadd.f32 v28, v12;
	(pc) =	sbr.rel @p0 .LBB2_2-.Ltmp2, $4  }
0xa5: {  	v16 =	vadd.f32 v29, v13;
	v14 =	vadd.f32 v30, v14  }
0xa6: {  	v15 =	vadd.f32 v32, v15;
	v4 =	vadd.f32 v34, v31  }
0xa7: {  	v3 =	vadd.f32 v36, v0;
	v2 =	vadd.f32 v2, v33  }
0xa8: {  	v1 =	vadd.f32 v10, v1;
	v0 =	vadd.f32 v11, v35  }
0xa9: {  	_ =	swait.ge [sflag:s17], $0x8000  }
0xaa: {  	[sflag:s17] =	ssyncset.done $0x0  }
0xab: {  	s1 =	simm.s32 $0x0;
	[sflag:s17] =	ssyncadd.s32 $0xFFFF8000  }
0xac: {  	v5 =	vld [tilespmem:s1+$0x64F0]  }
0xad: {  	v10 =	vld [tilespmem:s1+$0x6400]  }
0xae: {  	v11 =	vld [tilespmem:s1+$0x6410]  }
0xaf: {  	v12 =	vld [tilespmem:s1+$0x6420]  }
0xb0: {  	v13 =	vld [tilespmem:s1+$0x6430]  }
0xb1: {  	v22 =	vld [tilespmem:s1+$0x6440]  }
0xb2: {  	v23 =	vld [tilespmem:s1+$0x6450]  }
0xb3: {  	v24 =	vld [tilespmem:s1+$0x6460]  }
0xb4: {  	v25 =	vld [tilespmem:s1+$0x6470]  }
0xb5: {  	v26 =	vld [tilespmem:s1+$0x6480]  }
0xb6: {  	v27 =	vld [tilespmem:s1+$0x6490];
	v5 =	vadd.f32 v5, v6  }
0xb7: {  	v10 =	vadd.f32 v10, v20;
	v6 =	vadd.f32 v11, v7;
	v20 =	vld [tilespmem:s1+$0x64A0]  }
0xb8: {  	v21 =	vld [tilespmem:s1+$0x64B0];
	v11 =	vadd.f32 v12, v8;
	v7 =	vadd.f32 v13, v9  }
0xb9: {  	v12 =	vadd.f32 v22, v19;
	v8 =	vadd.f32 v23, v18;
	v18 =	vld [tilespmem:s1+$0x64C0]  }
0xba: {  	v13 =	vadd.f32 v24, v17;
	v9 =	vadd.f32 v25, v16;
	v16 =	vld [tilespmem:s1+$0x64D0]  }
0xbb: {  	s30 =	simm.s32 $0x100;
	s0 =	simm.s32 $0x800;
	v14 =	vadd.f32 v26, v14;
	v15 =	vadd.f32 v27, v15;
	v17 =	vld [tilespmem:s1+$0x64E0]  }
.LBB2_8:
0xbc: {  	p0 =	sne.s32 s0, $0x1FC00;
	v19 =	vld [tilespmem:s30+$0x64F0];
	v4 =	vadd.f32 v20, v4  }
0xbd: {  	v20 =	vld [tilespmem:s30+$0x6400];
	v3 =	vadd.f32 v21, v3  }
0xbe: {  	v21 =	vld [tilespmem:s30+$0x6410];
	v2 =	vadd.f32 v18, v2  }
0xbf: {  	v18 =	vld [tilespmem:s30+$0x6420];
	v1 =	vadd.f32 v16, v1  }
0xc0: {  	v16 =	vld [tilespmem:s30+$0x6430];
	v0 =	vadd.f32 v17, v0  }
0xc1: {  	v17 =	vld [tilespmem:s30+$0x6440];
	v5 =	vadd.f32 v19, v5  }
0xc2: {  	v10 =	vadd.f32 v20, v10;
	v19 =	vld [tilespmem:s30+$0x6450]  }
0xc3: {  	v6 =	vadd.f32 v21, v6;
	v21 =	vld [tilespmem:s30+$0x6460]  }
0xc4: {  	v11 =	vadd.f32 v18, v11;
	v18 =	vld [tilespmem:s30+$0x6470]  }
0xc5: {  	v7 =	vadd.f32 v16, v7;
	v16 =	vld [tilespmem:s30+$0x6480]  }
0xc6: {  	v12 =	vadd.f32 v17, v12;
	v17 =	vld [tilespmem:s30+$0x6490]  }
.Ltmp3:
0xc7: {  	v8 =	vadd.f32 v19, v8;
	v20 =	vld [tilespmem:s30+$0x64A0];
	(pc) =	sbr.rel @p0 .LBB2_8-.Ltmp3, $4  }
0xc8: {  	v13 =	vadd.f32 v21, v13;
	v21 =	vld [tilespmem:s30+$0x64B0]  }
0xc9: {  	v9 =	vadd.f32 v18, v9;
	v18 =	vld [tilespmem:s30+$0x64C0]  }
0xca: {  	v14 =	vadd.f32 v16, v14;
	v16 =	vld [tilespmem:s30+$0x64D0]  }
0xcb: {  	v15 =	vadd.f32 v17, v15;
	v17 =	vld [tilespmem:s30+$0x64E0];
	s30 =	sshra.s32 s0, $0x2;
	s0 =	sadd.s32 $0x400, s0  }
0xcc: {  	v19 =	vld [tilespmem:s30+$0x64F0]  }
0xcd: {  	v22 =	vld [tilespmem:s30+$0x6400]  }
0xce: {  	v23 =	vld [tilespmem:s30+$0x6410]  }
0xcf: {  	v24 =	vld [tilespmem:s30+$0x6420]  }
0xd0: {  	v25 =	vld [tilespmem:s30+$0x6430]  }
0xd1: {  	v26 =	vld [tilespmem:s30+$0x6440]  }
0xd2: {  	v27 =	vld [tilespmem:s30+$0x6450]  }
0xd3: {  	v28 =	vld [tilespmem:s30+$0x6460]  }
0xd4: {  	v29 =	vld [tilespmem:s30+$0x6470]  }
0xd5: {  	v4 =	vadd.f32 v20, v4;
	v54 =	vld [tilespmem:s30+$0x6480]  }
0xd6: {  	v55 =	vld [tilespmem:s30+$0x6490];
	v3 =	vadd.f32 v21, v3;
	v2 =	vadd.f32 v18, v2  }
0xd7: {  	v56 =	vld [tilespmem:s30+$0x64A0];
	v1 =	vadd.f32 v16, v1;
	v0 =	vadd.f32 v17, v0  }
0xd8: {  	v57 =	vld [tilespmem:s30+$0x64B0];
	v5 =	vadd.f32 v19, v5;
	v10 =	vadd.f32 v22, v10  }
0xd9: {  	v58 =	vld [tilespmem:s30+$0x64C0];
	v6 =	vadd.f32 v23, v6;
	v11 =	vadd.f32 v24, v11  }
0xda: {  	v59 =	vld [tilespmem:s30+$0x64D0];
	v7 =	vadd.f32 v25, v7;
	v12 =	vadd.f32 v26, v12  }
0xdb: {  	v60 =	vld [tilespmem:s30+$0x64E0];
	v8 =	vadd.f32 v27, v8;
	v13 =	vadd.f32 v28, v13  }
0xdc: {  	v9 =	vadd.f32 v29, v9;
	v14 =	vadd.f32 v54, v14  }
0xdd: {  	v15 =	vadd.f32 v55, v15;
	v4 =	vadd.f32 v56, v4  }
0xde: {  	v3 =	vadd.f32 v57, v3;
	v2 =	vadd.f32 v58, v2  }
0xdf: {  	v1 =	vadd.f32 v59, v1;
	v10 =	vadd.f32 v12, v10  }
0xe0: {  	v0 =	vadd.f32 v60, v0;
	v6 =	vadd.f32 v8, v6  }
0xe1: {  	v62 =	vadd.f32 v13, v11;
	v61 =	vadd.f32 v14, v10  }
0xe2: {  	v7 =	vadd.f32 v9, v7;
	v6 =	vadd.f32 v15, v6  }
0xe3: {  	v4 =	vadd.f32 v4, v62;
	v2 =	vadd.f32 v2, v61  }
0xe4: {  	v3 =	vadd.f32 v3, v7;
	v1 =	vadd.f32 v1, v6  }
0xe5: {  	v0 =	vadd.f32 v0, v4;
	[tilespmem:$0x16400] =	vst v2  }
0xe6: {  	s29 =	sadd.s32 $0x1, s29;
	v63 =	vadd.f32 v5, v3;
	[tilespmem:$0x16410] =	vst v1  }
0xe7: {  	p0 =	sne.s32 s29, s8;
	[tilespmem:$0x16420] =	vst v0  }
.Ltmp4:
0xe8: {  	[tilespmem:$0x16430] =	vst v63;
	(pc) =	sbr.rel @p0 .LBB2_1-.Ltmp4, $4  }
0xe9: {  	[hbm4b:s7+s2] =	stream.linear.scatter [tilespmem:s28], [sflag:$0x3], $0x40, $0x38;
	[tilespmem:$0x16440] =	vst v63  }
0xea: {  	_ =	swait.ge [sflag:s9], $0x40  }
0xeb: {  	[sflag:s9] =	ssyncset.done $0x0  }
0xec: {  	[sflag:s9] =	ssyncadd.s32 $0xFFFFFFC0  }
0xed: {  	_ =	sfence.sel $0x180000  }
0xee: {  	[bflag:$0x0] =	sbarrier.arrive $0xFFFF  }
0xef: {  	_ =	strace $0x90000047  }
0xf0: {  	s0 =	stileid.u32;
	[bflag:$0x2] =	sbarrier.arrive $0xFFFF  }
0xf1: {  	p0 =	sne.s32 s0, $0x0;
	s0 =	rddreg [dreg:$0x2]  }
0xf2: {  	s0 =	sadd.s32 @!p0 $0x100000, s0  }
0xf3: {  	[sflag:s0] =	ssyncadd.tile.s32 @!p0 $0x1;
	_ =	shalt  }
.Lfunc_end2:
_tile_overlayer_lowered:
.L_overlay_start_2:
0xf4: {  	(tag) =	ssettag $0x2  }
0xf5: {  	s0 =	rddreg [dreg:$0x0];
	s2 =	stileid.u32  }
0xf6: {  	s1 =	rddreg [dreg:$0x1];
	p0 =	sne.s32 s2, $0x0  }
0xf7: {  	s3 =	rddreg [dreg:$0x2];
	[bflag:$0x3] =	sbarrier.arrive $0xFFFF;
	s2 =	simm.s32 @!p0 $0x1C03  }
0xf8: {  	[timem:s3], [sflag:s2] =	dma.local @!p0 [hbm:s0], s1  }
0xf9: {  	s0 =	simm.s32 @!p0 $0x3  }
0xfa: {  	_ =	swait.ge @!p0 [sflag:s0], s1  }
0xfb: {  	s1 =	ssub.s32 @!p0 $0x0, s1;
	[sflag:s0] =	ssyncset.done @!p0 $0x0  }
0xfc: {  	[sflag:s0] =	ssyncadd.s32 @!p0 s1  }
0xfd: {  	[bflag:$0x3] =	sbarrier.arrive $0xFFFF  }
0xfe: {  	_ =	shalt  }

</sc_bundles>
